<compile_context>
chip_gen: v7x
topology: tpu7x:2x2x1
jax: 0.10.2.dev20260603
libtpu: 0.0.44.dev20260713+nightly
codegen_flags: <defaults>
</compile_context>

<pallas_src>
import functools

import jax
import jax.numpy as jnp
from jax import lax
from jax.experimental import pallas as pl
from jax.experimental.pallas import tpu as pltpu
from jax.experimental.pallas import tpu_sc as plsc

N = 10000
E = 320000
D = 128
G = 64
C = 2

NC = 2
NS = 16
NW = NC * NS
EPW = E // NW
K = 80
CHUNKS = EPW // K
RPT = 624
TAIL = N - NS * RPT
TAIL_OFF = NS * RPT


def _sc_scatter_body(h_hbm, src_hbm, dst_hbm, zero_hbm, out_hbm,
                     src_v, dst_v, rows_v, agg_sh, sem):
    c = lax.axis_index("c")
    s = lax.axis_index("s")
    pltpu.sync_copy(zero_hbm.at[pl.ds(s * RPT, RPT)],
                    agg_sh.at[pl.ds(s * RPT, RPT)])

    @pl.when(s == NS - 1)
    def _():
        pltpu.sync_copy(zero_hbm.at[pl.ds(TAIL_OFF, TAIL)],
                        agg_sh.at[pl.ds(TAIL_OFF, TAIL)])

    plsc.subcore_barrier()
    base = (s * NC + c) * EPW

    def body(i, carry):
        off = base + i * K
        pltpu.sync_copy(src_hbm.at[pl.ds(off, K)], src_v)
        pltpu.sync_copy(dst_hbm.at[pl.ds(off, K)], dst_v)
        pltpu.async_copy(h_hbm.at[src_v], rows_v, sem).wait()
        pltpu.sync_copy(rows_v, agg_sh.at[dst_v], add=True)
        return carry

    lax.fori_loop(0, CHUNKS, body, 0)
    plsc.subcore_barrier()
    pltpu.sync_copy(agg_sh.at[pl.ds(s * RPT, RPT)],
                    out_hbm.at[c, pl.ds(s * RPT, RPT)])

    @pl.when(s == NS - 1)
    def _():
        pltpu.sync_copy(agg_sh.at[pl.ds(TAIL_OFF, TAIL)],
                        out_hbm.at[c, pl.ds(TAIL_OFF, TAIL)])


@functools.cache
def _sc_scatter():
    return functools.partial(
        pl.kernel,
        mesh=plsc.VectorSubcoreMesh(core_axis_name="c", subcore_axis_name="s"),
        out_type=jax.ShapeDtypeStruct((NC, N, D), jnp.float32),
        scratch_types=[
            pltpu.VMEM((K,), jnp.int32),
            pltpu.VMEM((K,), jnp.int32),
            pltpu.VMEM((K, D), jnp.float32),
            pltpu.VMEM_SHARED((N, D), jnp.float32),
            pltpu.SemaphoreType.DMA,
        ],
    )(_sc_scatter_body)


BLK = 1000
NBLK = N // BLK


def _tc_layer_body(ngi_ref, h_ref, a0_ref, a1_ref, w1_ref, b1_ref,
                   w2_ref, b2_ref, mu_ref, sqv_ref, gam_ref, bet_ref,
                   hout_ref, pool_ref):
    i = pl.program_id(0)
    hin = h_ref[...] + a0_ref[...] + a1_ref[...]
    t = jnp.dot(hin, w1_ref[...], preferred_element_type=jnp.float32)
    t = jnp.maximum(t + b1_ref[...], 0.0)
    t = jnp.dot(t, w2_ref[...],
                preferred_element_type=jnp.float32) + b2_ref[...]
    t = (t - mu_ref[...]) / sqv_ref[...] * gam_ref[...] + bet_ref[...]
    t = jnp.maximum(t, 0.0)
    hout_ref[...] = t
    ngi = ngi_ref[0, 0, :]
    onehot_t = (lax.broadcasted_iota(jnp.int32, (G, BLK), 0)
                == ngi[None, :]).astype(jnp.float32)
    part = jnp.dot(onehot_t, t, preferred_element_type=jnp.float32,
                   precision=lax.Precision.HIGHEST)

    @pl.when(i == 0)
    def _():
        pool_ref[...] = part

    @pl.when(i != 0)
    def _():
        pool_ref[...] += part


_tc_layer = pl.pallas_call(
    _tc_layer_body,
    grid=(NBLK,),
    in_specs=[
        pl.BlockSpec((1, 1, BLK), lambda i: (i, 0, 0)),
        pl.BlockSpec((BLK, D), lambda i: (i, 0)),
        pl.BlockSpec((BLK, D), lambda i: (i, 0)),
        pl.BlockSpec((BLK, D), lambda i: (i, 0)),
        pl.BlockSpec((D, D), lambda i: (0, 0)),
        pl.BlockSpec((1, D), lambda i: (0, 0)),
        pl.BlockSpec((D, D), lambda i: (0, 0)),
        pl.BlockSpec((1, D), lambda i: (0, 0)),
        pl.BlockSpec((1, D), lambda i: (0, 0)),
        pl.BlockSpec((1, D), lambda i: (0, 0)),
        pl.BlockSpec((1, D), lambda i: (0, 0)),
        pl.BlockSpec((1, D), lambda i: (0, 0)),
    ],
    out_specs=[
        pl.BlockSpec((BLK, D), lambda i: (i, 0)),
        pl.BlockSpec((G, D), lambda i: (0, 0)),
    ],
    out_shape=[
        jax.ShapeDtypeStruct((N, D), jnp.float32),
        jax.ShapeDtypeStruct((G, D), jnp.float32),
    ],
)


def _tc_head_body(p0_ref, p1_ref, p2_ref, wm1_ref, bm1_ref, wm2_ref,
                  bm2_ref, out_ref):
    hm = (jnp.dot(p0_ref[...], wm1_ref[0:D, :],
                  preferred_element_type=jnp.float32)
          + jnp.dot(p1_ref[...], wm1_ref[D:2 * D, :],
                    preferred_element_type=jnp.float32)
          + jnp.dot(p2_ref[...], wm1_ref[2 * D:3 * D, :],
                    preferred_element_type=jnp.float32))
    hm = jnp.maximum(hm + bm1_ref[...], 0.0)
    out_ref[...] = (jnp.dot(hm, wm2_ref[...],
                            preferred_element_type=jnp.float32)
                    + bm2_ref[...])


_tc_head = pl.pallas_call(
    _tc_head_body,
    out_shape=jax.ShapeDtypeStruct((G, 128), jnp.float32),
)


def kernel(x, edge_index, node_graph_index,
           W1_0, b1_0, W2_0, b2_0, gam_0, bet_0, mu_0, var_0,
           W1_1, b1_1, W2_1, b2_1, gam_1, bet_1, mu_1, var_1,
           W1_2, b1_2, W2_2, b2_2, gam_2, bet_2, mu_2, var_2,
           Wm1, bm1, Wm2, bm2):
    src = edge_index[0]
    dst = edge_index[1]
    zero = jnp.zeros((N, D), jnp.float32)
    ngi_r = node_graph_index.reshape(NBLK, 1, BLK)

    layer_params = [
        (W1_0, b1_0, W2_0, b2_0, gam_0, bet_0, mu_0, var_0),
        (W1_1, b1_1, W2_1, b2_1, gam_1, bet_1, mu_1, var_1),
        (W1_2, b1_2, W2_2, b2_2, gam_2, bet_2, mu_2, var_2),
    ]

    h = x
    pools = []
    for (W1, b1, W2, b2, gam, bet, mu, var) in layer_params:
        sqv = jnp.sqrt(var + 1e-3)
        agg = _sc_scatter()(h, src, dst, zero)
        h, pool = _tc_layer(ngi_r, h, agg[0], agg[1],
                            W1, b1.reshape(1, D), W2, b2.reshape(1, D),
                            mu.reshape(1, D), sqv.reshape(1, D),
                            gam.reshape(1, D), bet.reshape(1, D))
        pools.append(pool)

    Wm2p = jnp.zeros((128, 128), jnp.float32).at[:, :C].set(Wm2)
    bm2p = jnp.zeros((1, 128), jnp.float32).at[0, :C].set(bm2)
    out = _tc_head(pools[0], pools[1], pools[2],
                   Wm1, bm1.reshape(1, 128), Wm2p, bm2p)
    return out[:, :C]

# --- scband reference (transcript-rebuilt; emitter-appended) ---
"""Pipeline reference for scband-ginpool-network-55946243998136 (READ-ONLY COPY).

The authoritative reference and input builder live on the scoring server;
editing this copy changes nothing except your own understanding.
"""

import jax, jax.numpy as jnp
import numpy as np

N = 10000
E = 320000
D = 128
U = 128
G = 64
C = 2
L = 3
PN = [f"{n}_{i}" for i in range(L) for n in ["W1", "b1", "W2", "b2", "gam", "bet", "mu", "var"]] + ["Wm1", "bm1", "Wm2", "bm2"]


def setup_inputs(seed: int = 0) -> dict:
    key = jax.random.key(seed)
    inp = {}
    inp["x"] = jax.random.normal(jax.random.fold_in(key, 0), (N, D), dtype=jnp.float32)
    inp["edge_index"] = jax.random.randint(jax.random.fold_in(key, 1), (2, E), 0, N, dtype=jnp.int32)
    inp["node_graph_index"] = jnp.sort(jax.random.randint(jax.random.fold_in(key, 2), (N,), 0, G, dtype=jnp.int32))
    c = 3
    for i in range(L):
        ind = D if i == 0 else U
        inp[f"W1_{i}"] = jax.random.normal(jax.random.fold_in(key, c), (ind, U), dtype=jnp.float32) * (1.0 / np.sqrt(ind)); c += 1
        inp[f"b1_{i}"] = jnp.zeros((U,), jnp.float32)
        inp[f"W2_{i}"] = jax.random.normal(jax.random.fold_in(key, c), (U, U), dtype=jnp.float32) * (1.0 / np.sqrt(U)); c += 1
        inp[f"b2_{i}"] = jnp.zeros((U,), jnp.float32)
        inp[f"gam_{i}"] = jnp.ones((U,), jnp.float32)
        inp[f"bet_{i}"] = jnp.zeros((U,), jnp.float32)
        inp[f"mu_{i}"] = jnp.zeros((U,), jnp.float32)
        inp[f"var_{i}"] = jnp.ones((U,), jnp.float32)
    inp["Wm1"] = jax.random.normal(jax.random.fold_in(key, c), (L * U, 128), dtype=jnp.float32) * (1.0 / np.sqrt(L * U)); c += 1
    inp["bm1"] = jnp.zeros((128,), jnp.float32)
    inp["Wm2"] = jax.random.normal(jax.random.fold_in(key, c), (128, C), dtype=jnp.float32) * (1.0 / np.sqrt(128))
    inp["bm2"] = jnp.zeros((C,), jnp.float32)
    return inp


def _forward(x, edge_index, node_graph_index, p):
    # GINPoolNetwork.call with training=False, no edge_weight (3-input form)
    src, dst = edge_index[0], edge_index[1]
    h = x
    outs = []
    for i in range(L):
        # GIN: h' = MLP((1 + eps) * h + sum_{j in N(i)} h_j), eps = 0
        agg = jnp.zeros_like(h).at[dst].add(h[src])
        h2 = h + agg
        h2 = jax.nn.relu(h2 @ p[f"W1_{i}"] + p[f"b1_{i}"])
        h2 = h2 @ p[f"W2_{i}"] + p[f"b2_{i}"]
        # BatchNormalization (inference): keras default epsilon = 1e-3
        h2 = (h2 - p[f"mu_{i}"]) / jnp.sqrt(p[f"var_{i}"] + 1e-3) * p[f"gam_{i}"] + p[f"bet_{i}"]
        h = jax.nn.relu(h2)
        outs.append(h)
    hc = jnp.concatenate(outs, axis=-1)
    # tfg.nn.sum_pool -> segment_sum over graph ids
    pooled = jax.ops.segment_sum(hc, node_graph_index, num_segments=G)
    hm = jax.nn.relu(pooled @ p["Wm1"] + p["bm1"])  # Dropout is identity at inference
    return hm @ p["Wm2"] + p["bm2"]


def reference(x, edge_index, node_graph_index,
              W1_0, b1_0, W2_0, b2_0, gam_0, bet_0, mu_0, var_0,
              W1_1, b1_1, W2_1, b2_1, gam_1, bet_1, mu_1, var_1,
              W1_2, b1_2, W2_2, b2_2, gam_2, bet_2, mu_2, var_2,
              Wm1, bm1, Wm2, bm2):
    args = dict(locals())
    p = {k: args[k] for k in PN}
    return _forward(x, edge_index, node_graph_index, p)

if __name__ == "__main__":
    import jax
    _d = setup_inputs()
    print(jax.jit(kernel)(*tuple(_d.values())))

</pallas_src>

<mosaic_0001>
#map = affine_map<(d0, d1) -> (0, 0)>
#map1 = affine_map<(d0, d1) -> (0)>
#map2 = affine_map<(d0, d1) -> (0, 0, 0)>
module attributes {stable_mosaic.version = 14 : i64} {
  func.func @_sc_scatter_body(%arg0: i32, %arg1: i32, %arg2: memref<10000x128xf32, #tpu.memory_space<hbm>>, %arg3: memref<320000xi32, #tpu.memory_space<hbm>>, %arg4: memref<320000xi32, #tpu.memory_space<hbm>>, %arg5: memref<10000x128xf32, #tpu.memory_space<hbm>>, %arg6: memref<2x10000x128xf32, #tpu.memory_space<hbm>>, %arg7: memref<80xi32, #tpu.memory_space<vmem>>, %arg8: memref<80xi32, #tpu.memory_space<vmem>>, %arg9: memref<80x128xf32, #tpu.memory_space<vmem>>, %arg10: memref<10000x128xf32, #tpu.memory_space<vmem_shared>>, %arg11: memref<!tpu.dma_semaphore, #tpu.memory_space<semaphore_mem>>) attributes {dimension_semantics = [#tpu.dimension_semantics<core_parallel>, #tpu.dimension_semantics<subcore_parallel>], iteration_bounds = array<i64: 2, 16>, scalar_prefetch = 0 : i64, scratch_operands = 5 : i64, tpu.core_type = #tpu.core_type<sc_vector_subcore>, window_params = [{transform_indices = #map}, {transform_indices = #map1}, {transform_indices = #map1}, {transform_indices = #map}, {transform_indices = #map2}]} {
    %mul3A = arith.constant 624 : i32
    %mul3A_0 = arith.muli %arg1, %mul3A : i32
    %mul3A_1 = arith.constant 624 : i32
    %mul3A_2 = arith.muli %arg1, %mul3A_1 : i32
    "tpu.region"() ({
      %run_scoped3A = tpu.sem_alloc : memref<!tpu.dma_semaphore, #tpu.memory_space<semaphore_mem>>
      %dma_start3A = arith.constant 0 : i32
      %dma_start3A_24 = tpu.memref_slice %arg10[%mul3A_2, %dma_start3A] : memref<10000x128xf32, #tpu.memory_space<vmem_shared>> -> memref<624x128xf32, #tpu.memory_space<vmem_shared>>
      %dma_start3A_25 = arith.constant 0 : i32
      %dma_start3A_26 = tpu.memref_slice %arg5[%mul3A_0, %dma_start3A_25] : memref<10000x128xf32, #tpu.memory_space<hbm>> -> memref<624x128xf32, #tpu.memory_space<hbm>>
      tpu.enqueue_dma source(%dma_start3A_26 : memref<624x128xf32, #tpu.memory_space<hbm>>) target(%dma_start3A_24 : memref<624x128xf32, #tpu.memory_space<vmem_shared>>) target_semaphore(%run_scoped3A : memref<!tpu.dma_semaphore, #tpu.memory_space<semaphore_mem>>)
      %dma_wait3A = arith.constant 0 : i32
      %dma_wait3A_27 = tpu.memref_slice %arg10[%mul3A_2, %dma_wait3A] : memref<10000x128xf32, #tpu.memory_space<vmem_shared>> -> memref<624x128xf32, #tpu.memory_space<vmem_shared>>
      %dma_wait3A_28 = arith.constant 0 : i32
      %dma_wait3A_29 = tpu.memref_slice %arg5[%mul3A_0, %dma_wait3A_28] : memref<10000x128xf32, #tpu.memory_space<hbm>> -> memref<624x128xf32, #tpu.memory_space<hbm>>
      tpu.wait_dma2 semaphore(%run_scoped3A : memref<!tpu.dma_semaphore, #tpu.memory_space<semaphore_mem>>) src(%dma_wait3A_29 : memref<624x128xf32, #tpu.memory_space<hbm>>) dst(%dma_wait3A_27 : memref<624x128xf32, #tpu.memory_space<vmem_shared>>)
      tpu.yield
    }) : () -> ()
    %eq3A = arith.constant 15 : i32
    %eq3A_3 = arith.cmpi eq, %arg1, %eq3A : i32
    %convert_element_type3A = arith.extui %eq3A_3 : i1 to i32
    %cond3A = arith.constant 0 : i32
    %cond3A_4 = arith.cmpi ne, %convert_element_type3A, %cond3A : i32
    scf.if %cond3A_4 {
      "tpu.region"() ({
        %run_scoped3A = tpu.sem_alloc : memref<!tpu.dma_semaphore, #tpu.memory_space<semaphore_mem>>
        %dma_start3A = arith.constant 9984 : i32
        %dma_start3A_24 = arith.constant 0 : i32
        %dma_start3A_25 = tpu.memref_slice %arg10[%dma_start3A, %dma_start3A_24] : memref<10000x128xf32, #tpu.memory_space<vmem_shared>> -> memref<16x128xf32, #tpu.memory_space<vmem_shared>>
        %dma_start3A_26 = arith.constant 9984 : i32
        %dma_start3A_27 = arith.constant 0 : i32
        %dma_start3A_28 = tpu.memref_slice %arg5[%dma_start3A_26, %dma_start3A_27] : memref<10000x128xf32, #tpu.memory_space<hbm>> -> memref<16x128xf32, #tpu.memory_space<hbm>>
        tpu.enqueue_dma source(%dma_start3A_28 : memref<16x128xf32, #tpu.memory_space<hbm>>) target(%dma_start3A_25 : memref<16x128xf32, #tpu.memory_space<vmem_shared>>) target_semaphore(%run_scoped3A : memref<!tpu.dma_semaphore, #tpu.memory_space<semaphore_mem>>)
        %dma_wait3A = arith.constant 9984 : i32
        %dma_wait3A_29 = arith.constant 0 : i32
        %dma_wait3A_30 = tpu.memref_slice %arg10[%dma_wait3A, %dma_wait3A_29] : memref<10000x128xf32, #tpu.memory_space<vmem_shared>> -> memref<16x128xf32, #tpu.memory_space<vmem_shared>>
        %dma_wait3A_31 = arith.constant 9984 : i32
        %dma_wait3A_32 = arith.constant 0 : i32
        %dma_wait3A_33 = tpu.memref_slice %arg5[%dma_wait3A_31, %dma_wait3A_32] : memref<10000x128xf32, #tpu.memory_space<hbm>> -> memref<16x128xf32, #tpu.memory_space<hbm>>
        tpu.wait_dma2 semaphore(%run_scoped3A : memref<!tpu.dma_semaphore, #tpu.memory_space<semaphore_mem>>) src(%dma_wait3A_33 : memref<16x128xf32, #tpu.memory_space<hbm>>) dst(%dma_wait3A_30 : memref<16x128xf32, #tpu.memory_space<vmem_shared>>)
        tpu.yield
      }) : () -> ()
    } else {
    }
    %barrier3A = arith.constant 0 : index
    tpu.barrier barrier_id(%barrier3A)
    %mul3A_5 = arith.constant 2 : i32
    %mul3A_6 = arith.muli %arg1, %mul3A_5 : i32
    %add3A = arith.addi %mul3A_6, %arg0 : i32
    %mul3A_7 = arith.constant 10000 : i32
    %mul3A_8 = arith.muli %add3A, %mul3A_7 : i32
    %scan3A = arith.constant 0 : i32
    %scan3A_9 = arith.constant 0 : i32
    %scan3A_10 = arith.constant 125 : i32
    %scan3A_11 = arith.addi %scan3A_9, %scan3A_10 : i32
    %scan3A_12 = arith.constant 1 : i32
    scf.for %scan3A_24 = %scan3A_9 to %scan3A_11 step %scan3A_12  : i32 {
      %mul3A_25 = arith.constant 80 : i32
      %mul3A_26 = arith.muli %scan3A_24, %mul3A_25 : i32
      %add3A_27 = arith.addi %mul3A_8, %mul3A_26 : i32
      "tpu.region"() ({
        %run_scoped3A = tpu.sem_alloc : memref<!tpu.dma_semaphore, #tpu.memory_space<semaphore_mem>>
        %dma_start3A_32 = tpu.memref_slice %arg3[%add3A_27] : memref<320000xi32, #tpu.memory_space<hbm>> -> memref<80xi32, #tpu.memory_space<hbm>>
        %dma_start3A_33 = tpu.memref_slice %arg3[%add3A_27] : memref<320000xi32, #tpu.memory_space<hbm>> -> memref<80xi32, #tpu.memory_space<hbm>>
        tpu.enqueue_dma source(%dma_start3A_33 : memref<80xi32, #tpu.memory_space<hbm>>) target(%arg7 : memref<80xi32, #tpu.memory_space<vmem>>) target_semaphore(%run_scoped3A : memref<!tpu.dma_semaphore, #tpu.memory_space<semaphore_mem>>)
        %dma_wait3A_34 = tpu.memref_slice %arg3[%add3A_27] : memref<320000xi32, #tpu.memory_space<hbm>> -> memref<80xi32, #tpu.memory_space<hbm>>
        %dma_wait3A_35 = tpu.memref_slice %arg3[%add3A_27] : memref<320000xi32, #tpu.memory_space<hbm>> -> memref<80xi32, #tpu.memory_space<hbm>>
        tpu.wait_dma2 semaphore(%run_scoped3A : memref<!tpu.dma_semaphore, #tpu.memory_space<semaphore_mem>>) src(%dma_wait3A_35 : memref<80xi32, #tpu.memory_space<hbm>>) dst(%arg7 : memref<80xi32, #tpu.memory_space<vmem>>)
        tpu.yield
      }) : () -> ()
      "tpu.region"() ({
        %run_scoped3A = tpu.sem_alloc : memref<!tpu.dma_semaphore, #tpu.memory_space<semaphore_mem>>
        %dma_start3A_32 = tpu.memref_slice %arg4[%add3A_27] : memref<320000xi32, #tpu.memory_space<hbm>> -> memref<80xi32, #tpu.memory_space<hbm>>
        %dma_start3A_33 = tpu.memref_slice %arg4[%add3A_27] : memref<320000xi32, #tpu.memory_space<hbm>> -> memref<80xi32, #tpu.memory_space<hbm>>
        tpu.enqueue_dma source(%dma_start3A_33 : memref<80xi32, #tpu.memory_space<hbm>>) target(%arg8 : memref<80xi32, #tpu.memory_space<vmem>>) target_semaphore(%run_scoped3A : memref<!tpu.dma_semaphore, #tpu.memory_space<semaphore_mem>>)
        %dma_wait3A_34 = tpu.memref_slice %arg4[%add3A_27] : memref<320000xi32, #tpu.memory_space<hbm>> -> memref<80xi32, #tpu.memory_space<hbm>>
        %dma_wait3A_35 = tpu.memref_slice %arg4[%add3A_27] : memref<320000xi32, #tpu.memory_space<hbm>> -> memref<80xi32, #tpu.memory_space<hbm>>
        tpu.wait_dma2 semaphore(%run_scoped3A : memref<!tpu.dma_semaphore, #tpu.memory_space<semaphore_mem>>) src(%dma_wait3A_35 : memref<80xi32, #tpu.memory_space<hbm>>) dst(%arg8 : memref<80xi32, #tpu.memory_space<vmem>>)
        tpu.yield
      }) : () -> ()
      %dma_start3A = arith.constant 0 : i32
      %dma_start3A_28 = arith.constant 0 : i32
      %dma_start3A_29 = tpu.memref_slice %arg2[%dma_start3A, %dma_start3A_28] : memref<10000x128xf32, #tpu.memory_space<hbm>> -> memref<10000x128xf32, #tpu.memory_space<hbm>>
      tpu.enqueue_indirect_dma source(%dma_start3A_29 : memref<10000x128xf32, #tpu.memory_space<hbm>>) target(%arg9 : memref<80x128xf32, #tpu.memory_space<vmem>>) offsets(%arg7 : memref<80xi32, #tpu.memory_space<vmem>>) semaphore(%arg11 : memref<!tpu.dma_semaphore, #tpu.memory_space<semaphore_mem>>)
      %dma_wait3A = arith.constant 0 : i32
      %dma_wait3A_30 = arith.constant 0 : i32
      %dma_wait3A_31 = tpu.memref_slice %arg2[%dma_wait3A, %dma_wait3A_30] : memref<10000x128xf32, #tpu.memory_space<hbm>> -> memref<10000x128xf32, #tpu.memory_space<hbm>>
      tpu.wait_indirect_dma semaphore(%arg11 : memref<!tpu.dma_semaphore, #tpu.memory_space<semaphore_mem>>) src(%dma_wait3A_31 : memref<10000x128xf32, #tpu.memory_space<hbm>>) dst(%arg9 : memref<80x128xf32, #tpu.memory_space<vmem>>)
      "tpu.region"() ({
        %run_scoped3A = tpu.sem_alloc : memref<!tpu.dma_semaphore, #tpu.memory_space<semaphore_mem>>
        %dma_start3A_32 = arith.constant 0 : i32
        %dma_start3A_33 = arith.constant 0 : i32
        %dma_start3A_34 = tpu.memref_slice %arg10[%dma_start3A_32, %dma_start3A_33] : memref<10000x128xf32, #tpu.memory_space<vmem_shared>> -> memref<10000x128xf32, #tpu.memory_space<vmem_shared>>
        tpu.enqueue_indirect_dma source(%arg9 : memref<80x128xf32, #tpu.memory_space<vmem>>) target(%dma_start3A_34 : memref<10000x128xf32, #tpu.memory_space<vmem_shared>>) offsets(%arg8 : memref<80xi32, #tpu.memory_space<vmem>>) semaphore(%run_scoped3A : memref<!tpu.dma_semaphore, #tpu.memory_space<semaphore_mem>>) {add = true}
        %dma_wait3A_35 = arith.constant 0 : i32
        %dma_wait3A_36 = arith.constant 0 : i32
        %dma_wait3A_37 = tpu.memref_slice %arg10[%dma_wait3A_35, %dma_wait3A_36] : memref<10000x128xf32, #tpu.memory_space<vmem_shared>> -> memref<10000x128xf32, #tpu.memory_space<vmem_shared>>
        tpu.wait_indirect_dma semaphore(%run_scoped3A : memref<!tpu.dma_semaphore, #tpu.memory_space<semaphore_mem>>) src(%arg9 : memref<80x128xf32, #tpu.memory_space<vmem>>) dst(%dma_wait3A_37 : memref<10000x128xf32, #tpu.memory_space<vmem_shared>>)
        tpu.yield
      }) : () -> ()
    }
    %scan3A_13 = arith.constant 125 : i32
    %barrier3A_14 = arith.constant 0 : index
    tpu.barrier barrier_id(%barrier3A_14)
    %mul3A_15 = arith.constant 624 : i32
    %mul3A_16 = arith.muli %arg1, %mul3A_15 : i32
    %mul3A_17 = arith.constant 624 : i32
    %mul3A_18 = arith.muli %arg1, %mul3A_17 : i32
    "tpu.region"() ({
      %run_scoped3A = tpu.sem_alloc : memref<!tpu.dma_semaphore, #tpu.memory_space<semaphore_mem>>
      %dma_start3A = arith.constant 0 : i32
      %dma_start3A_24 = tpu.memref_slice %arg6[%arg0, %mul3A_18, %dma_start3A] : memref<2x10000x128xf32, #tpu.memory_space<hbm>> -> memref<1x624x128xf32, #tpu.memory_space<hbm>>
      %dma_start3A_25 = tpu.memref_squeeze %dma_start3A_24 : memref<1x624x128xf32, #tpu.memory_space<hbm>> -> memref<624x128xf32, #tpu.memory_space<hbm>>
      %dma_start3A_26 = arith.constant 0 : i32
      %dma_start3A_27 = tpu.memref_slice %arg10[%mul3A_16, %dma_start3A_26] : memref<10000x128xf32, #tpu.memory_space<vmem_shared>> -> memref<624x128xf32, #tpu.memory_space<vmem_shared>>
      tpu.enqueue_dma source(%dma_start3A_27 : memref<624x128xf32, #tpu.memory_space<vmem_shared>>) target(%dma_start3A_25 : memref<624x128xf32, #tpu.memory_space<hbm>>) target_semaphore(%run_scoped3A : memref<!tpu.dma_semaphore, #tpu.memory_space<semaphore_mem>>)
      %dma_wait3A = arith.constant 0 : i32
      %dma_wait3A_28 = tpu.memref_slice %arg6[%arg0, %mul3A_18, %dma_wait3A] : memref<2x10000x128xf32, #tpu.memory_space<hbm>> -> memref<1x624x128xf32, #tpu.memory_space<hbm>>
      %dma_wait3A_29 = tpu.memref_squeeze %dma_wait3A_28 : memref<1x624x128xf32, #tpu.memory_space<hbm>> -> memref<624x128xf32, #tpu.memory_space<hbm>>
      %dma_wait3A_30 = arith.constant 0 : i32
      %dma_wait3A_31 = tpu.memref_slice %arg10[%mul3A_16, %dma_wait3A_30] : memref<10000x128xf32, #tpu.memory_space<vmem_shared>> -> memref<624x128xf32, #tpu.memory_space<vmem_shared>>
      tpu.wait_dma2 semaphore(%run_scoped3A : memref<!tpu.dma_semaphore, #tpu.memory_space<semaphore_mem>>) src(%dma_wait3A_31 : memref<624x128xf32, #tpu.memory_space<vmem_shared>>) dst(%dma_wait3A_29 : memref<624x128xf32, #tpu.memory_space<hbm>>)
      tpu.yield
    }) : () -> ()
    %eq3A_19 = arith.constant 15 : i32
    %eq3A_20 = arith.cmpi eq, %arg1, %eq3A_19 : i32
    %convert_element_type3A_21 = arith.extui %eq3A_20 : i1 to i32
    %cond3A_22 = arith.constant 0 : i32
    %cond3A_23 = arith.cmpi ne, %convert_element_type3A_21, %cond3A_22 : i32
    scf.if %cond3A_23 {
      "tpu.region"() ({
        %run_scoped3A = tpu.sem_alloc : memref<!tpu.dma_semaphore, #tpu.memory_space<semaphore_mem>>
        %dma_start3A = arith.constant 9984 : i32
        %dma_start3A_24 = arith.constant 0 : i32
        %dma_start3A_25 = tpu.memref_slice %arg6[%arg0, %dma_start3A, %dma_start3A_24] : memref<2x10000x128xf32, #tpu.memory_space<hbm>> -> memref<1x16x128xf32, #tpu.memory_space<hbm>>
        %dma_start3A_26 = tpu.memref_squeeze %dma_start3A_25 : memref<1x16x128xf32, #tpu.memory_space<hbm>> -> memref<16x128xf32, #tpu.memory_space<hbm>>
        %dma_start3A_27 = arith.constant 9984 : i32
        %dma_start3A_28 = arith.constant 0 : i32
        %dma_start3A_29 = tpu.memref_slice %arg10[%dma_start3A_27, %dma_start3A_28] : memref<10000x128xf32, #tpu.memory_space<vmem_shared>> -> memref<16x128xf32, #tpu.memory_space<vmem_shared>>
        tpu.enqueue_dma source(%dma_start3A_29 : memref<16x128xf32, #tpu.memory_space<vmem_shared>>) target(%dma_start3A_26 : memref<16x128xf32, #tpu.memory_space<hbm>>) target_semaphore(%run_scoped3A : memref<!tpu.dma_semaphore, #tpu.memory_space<semaphore_mem>>)
        %dma_wait3A = arith.constant 9984 : i32
        %dma_wait3A_30 = arith.constant 0 : i32
        %dma_wait3A_31 = tpu.memref_slice %arg6[%arg0, %dma_wait3A, %dma_wait3A_30] : memref<2x10000x128xf32, #tpu.memory_space<hbm>> -> memref<1x16x128xf32, #tpu.memory_space<hbm>>
        %dma_wait3A_32 = tpu.memref_squeeze %dma_wait3A_31 : memref<1x16x128xf32, #tpu.memory_space<hbm>> -> memref<16x128xf32, #tpu.memory_space<hbm>>
        %dma_wait3A_33 = arith.constant 9984 : i32
        %dma_wait3A_34 = arith.constant 0 : i32
        %dma_wait3A_35 = tpu.memref_slice %arg10[%dma_wait3A_33, %dma_wait3A_34] : memref<10000x128xf32, #tpu.memory_space<vmem_shared>> -> memref<16x128xf32, #tpu.memory_space<vmem_shared>>
        tpu.wait_dma2 semaphore(%run_scoped3A : memref<!tpu.dma_semaphore, #tpu.memory_space<semaphore_mem>>) src(%dma_wait3A_35 : memref<16x128xf32, #tpu.memory_space<vmem_shared>>) dst(%dma_wait3A_32 : memref<16x128xf32, #tpu.memory_space<hbm>>)
        tpu.yield
      }) : () -> ()
    } else {
    }
    return
  }
}

#map = affine_map<(d0, d1) -> (0, 0)>
#map1 = affine_map<(d0, d1) -> (0)>
#map2 = affine_map<(d0, d1) -> (0, 0, 0)>
module attributes {stable_mosaic.version = 14 : i64} {
  func.func @_sc_scatter_body(%arg0: i32, %arg1: i32, %arg2: memref<10000x128xf32, #tpu.memory_space<hbm>>, %arg3: memref<320000xi32, #tpu.memory_space<hbm>>, %arg4: memref<320000xi32, #tpu.memory_space<hbm>>, %arg5: memref<10000x128xf32, #tpu.memory_space<hbm>>, %arg6: memref<2x10000x128xf32, #tpu.memory_space<hbm>>, %arg7: memref<80xi32, #tpu.memory_space<vmem>>, %arg8: memref<80xi32, #tpu.memory_space<vmem>>, %arg9: memref<80x128xf32, #tpu.memory_space<vmem>>, %arg10: memref<10000x128xf32, #tpu.memory_space<vmem_shared>>, %arg11: memref<!tpu.dma_semaphore, #tpu.memory_space<semaphore_mem>>) attributes {dimension_semantics = [#tpu.dimension_semantics<core_parallel>, #tpu.dimension_semantics<subcore_parallel>], iteration_bounds = array<i64: 2, 16>, scalar_prefetch = 0 : i64, scratch_operands = 5 : i64, tpu.core_type = #tpu.core_type<sc_vector_subcore>, window_params = [{transform_indices = #map}, {transform_indices = #map1}, {transform_indices = #map1}, {transform_indices = #map}, {transform_indices = #map2}]} {
    %mul3A = arith.constant 624 : i32
    %mul3A_0 = arith.muli %arg1, %mul3A : i32
    %mul3A_1 = arith.constant 624 : i32
    %mul3A_2 = arith.muli %arg1, %mul3A_1 : i32
    "tpu.region"() ({
      %run_scoped3A = tpu.sem_alloc : memref<!tpu.dma_semaphore, #tpu.memory_space<semaphore_mem>>
      %dma_start3A = arith.constant 0 : i32
      %dma_start3A_24 = tpu.memref_slice %arg10[%mul3A_2, %dma_start3A] : memref<10000x128xf32, #tpu.memory_space<vmem_shared>> -> memref<624x128xf32, #tpu.memory_space<vmem_shared>>
      %dma_start3A_25 = arith.constant 0 : i32
      %dma_start3A_26 = tpu.memref_slice %arg5[%mul3A_0, %dma_start3A_25] : memref<10000x128xf32, #tpu.memory_space<hbm>> -> memref<624x128xf32, #tpu.memory_space<hbm>>
      tpu.enqueue_dma source(%dma_start3A_26 : memref<624x128xf32, #tpu.memory_space<hbm>>) target(%dma_start3A_24 : memref<624x128xf32, #tpu.memory_space<vmem_shared>>) target_semaphore(%run_scoped3A : memref<!tpu.dma_semaphore, #tpu.memory_space<semaphore_mem>>)
      %dma_wait3A = arith.constant 0 : i32
      %dma_wait3A_27 = tpu.memref_slice %arg10[%mul3A_2, %dma_wait3A] : memref<10000x128xf32, #tpu.memory_space<vmem_shared>> -> memref<624x128xf32, #tpu.memory_space<vmem_shared>>
      %dma_wait3A_28 = arith.constant 0 : i32
      %dma_wait3A_29 = tpu.memref_slice %arg5[%mul3A_0, %dma_wait3A_28] : memref<10000x128xf32, #tpu.memory_space<hbm>> -> memref<624x128xf32, #tpu.memory_space<hbm>>
      tpu.wait_dma2 semaphore(%run_scoped3A : memref<!tpu.dma_semaphore, #tpu.memory_space<semaphore_mem>>) src(%dma_wait3A_29 : memref<624x128xf32, #tpu.memory_space<hbm>>) dst(%dma_wait3A_27 : memref<624x128xf32, #tpu.memory_space<vmem_shared>>)
      tpu.yield
    }) : () -> ()
    %eq3A = arith.constant 15 : i32
    %eq3A_3 = arith.cmpi eq, %arg1, %eq3A : i32
    %convert_element_type3A = arith.extui %eq3A_3 : i1 to i32
    %cond3A = arith.constant 0 : i32
    %cond3A_4 = arith.cmpi ne, %convert_element_type3A, %cond3A : i32
    scf.if %cond3A_4 {
      "tpu.region"() ({
        %run_scoped3A = tpu.sem_alloc : memref<!tpu.dma_semaphore, #tpu.memory_space<semaphore_mem>>
        %dma_start3A = arith.constant 9984 : i32
        %dma_start3A_24 = arith.constant 0 : i32
        %dma_start3A_25 = tpu.memref_slice %arg10[%dma_start3A, %dma_start3A_24] : memref<10000x128xf32, #tpu.memory_space<vmem_shared>> -> memref<16x128xf32, #tpu.memory_space<vmem_shared>>
        %dma_start3A_26 = arith.constant 9984 : i32
        %dma_start3A_27 = arith.constant 0 : i32
        %dma_start3A_28 = tpu.memref_slice %arg5[%dma_start3A_26, %dma_start3A_27] : memref<10000x128xf32, #tpu.memory_space<hbm>> -> memref<16x128xf32, #tpu.memory_space<hbm>>
        tpu.enqueue_dma source(%dma_start3A_28 : memref<16x128xf32, #tpu.memory_space<hbm>>) target(%dma_start3A_25 : memref<16x128xf32, #tpu.memory_space<vmem_shared>>) target_semaphore(%run_scoped3A : memref<!tpu.dma_semaphore, #tpu.memory_space<semaphore_mem>>)
        %dma_wait3A = arith.constant 9984 : i32
        %dma_wait3A_29 = arith.constant 0 : i32
        %dma_wait3A_30 = tpu.memref_slice %arg10[%dma_wait3A, %dma_wait3A_29] : memref<10000x128xf32, #tpu.memory_space<vmem_shared>> -> memref<16x128xf32, #tpu.memory_space<vmem_shared>>
        %dma_wait3A_31 = arith.constant 9984 : i32
        %dma_wait3A_32 = arith.constant 0 : i32
        %dma_wait3A_33 = tpu.memref_slice %arg5[%dma_wait3A_31, %dma_wait3A_32] : memref<10000x128xf32, #tpu.memory_space<hbm>> -> memref<16x128xf32, #tpu.memory_space<hbm>>
        tpu.wait_dma2 semaphore(%run_scoped3A : memref<!tpu.dma_semaphore, #tpu.memory_space<semaphore_mem>>) src(%dma_wait3A_33 : memref<16x128xf32, #tpu.memory_space<hbm>>) dst(%dma_wait3A_30 : memref<16x128xf32, #tpu.memory_space<vmem_shared>>)
        tpu.yield
      }) : () -> ()
    } else {
    }
    %barrier3A = arith.constant 0 : index
    tpu.barrier barrier_id(%barrier3A)
    %mul3A_5 = arith.constant 2 : i32
    %mul3A_6 = arith.muli %arg1, %mul3A_5 : i32
    %add3A = arith.addi %mul3A_6, %arg0 : i32
    %mul3A_7 = arith.constant 10000 : i32
    %mul3A_8 = arith.muli %add3A, %mul3A_7 : i32
    %scan3A = arith.constant 0 : i32
    %scan3A_9 = arith.constant 0 : i32
    %scan3A_10 = arith.constant 125 : i32
    %scan3A_11 = arith.addi %scan3A_9, %scan3A_10 : i32
    %scan3A_12 = arith.constant 1 : i32
    scf.for %scan3A_24 = %scan3A_9 to %scan3A_11 step %scan3A_12  : i32 {
      %mul3A_25 = arith.constant 80 : i32
      %mul3A_26 = arith.muli %scan3A_24, %mul3A_25 : i32
      %add3A_27 = arith.addi %mul3A_8, %mul3A_26 : i32
      "tpu.region"() ({
        %run_scoped3A = tpu.sem_alloc : memref<!tpu.dma_semaphore, #tpu.memory_space<semaphore_mem>>
        %dma_start3A_32 = tpu.memref_slice %arg3[%add3A_27] : memref<320000xi32, #tpu.memory_space<hbm>> -> memref<80xi32, #tpu.memory_space<hbm>>
        %dma_start3A_33 = tpu.memref_slice %arg3[%add3A_27] : memref<320000xi32, #tpu.memory_space<hbm>> -> memref<80xi32, #tpu.memory_space<hbm>>
        tpu.enqueue_dma source(%dma_start3A_33 : memref<80xi32, #tpu.memory_space<hbm>>) target(%arg7 : memref<80xi32, #tpu.memory_space<vmem>>) target_semaphore(%run_scoped3A : memref<!tpu.dma_semaphore, #tpu.memory_space<semaphore_mem>>)
        %dma_wait3A_34 = tpu.memref_slice %arg3[%add3A_27] : memref<320000xi32, #tpu.memory_space<hbm>> -> memref<80xi32, #tpu.memory_space<hbm>>
        %dma_wait3A_35 = tpu.memref_slice %arg3[%add3A_27] : memref<320000xi32, #tpu.memory_space<hbm>> -> memref<80xi32, #tpu.memory_space<hbm>>
        tpu.wait_dma2 semaphore(%run_scoped3A : memref<!tpu.dma_semaphore, #tpu.memory_space<semaphore_mem>>) src(%dma_wait3A_35 : memref<80xi32, #tpu.memory_space<hbm>>) dst(%arg7 : memref<80xi32, #tpu.memory_space<vmem>>)
        tpu.yield
      }) : () -> ()
      "tpu.region"() ({
        %run_scoped3A = tpu.sem_alloc : memref<!tpu.dma_semaphore, #tpu.memory_space<semaphore_mem>>
        %dma_start3A_32 = tpu.memref_slice %arg4[%add3A_27] : memref<320000xi32, #tpu.memory_space<hbm>> -> memref<80xi32, #tpu.memory_space<hbm>>
        %dma_start3A_33 = tpu.memref_slice %arg4[%add3A_27] : memref<320000xi32, #tpu.memory_space<hbm>> -> memref<80xi32, #tpu.memory_space<hbm>>
        tpu.enqueue_dma source(%dma_start3A_33 : memref<80xi32, #tpu.memory_space<hbm>>) target(%arg8 : memref<80xi32, #tpu.memory_space<vmem>>) target_semaphore(%run_scoped3A : memref<!tpu.dma_semaphore, #tpu.memory_space<semaphore_mem>>)
        %dma_wait3A_34 = tpu.memref_slice %arg4[%add3A_27] : memref<320000xi32, #tpu.memory_space<hbm>> -> memref<80xi32, #tpu.memory_space<hbm>>
        %dma_wait3A_35 = tpu.memref_slice %arg4[%add3A_27] : memref<320000xi32, #tpu.memory_space<hbm>> -> memref<80xi32, #tpu.memory_space<hbm>>
        tpu.wait_dma2 semaphore(%run_scoped3A : memref<!tpu.dma_semaphore, #tpu.memory_space<semaphore_mem>>) src(%dma_wait3A_35 : memref<80xi32, #tpu.memory_space<hbm>>) dst(%arg8 : memref<80xi32, #tpu.memory_space<vmem>>)
        tpu.yield
      }) : () -> ()
      %dma_start3A = arith.constant 0 : i32
      %dma_start3A_28 = arith.constant 0 : i32
      %dma_start3A_29 = tpu.memref_slice %arg2[%dma_start3A, %dma_start3A_28] : memref<10000x128xf32, #tpu.memory_space<hbm>> -> memref<10000x128xf32, #tpu.memory_space<hbm>>
      tpu.enqueue_indirect_dma source(%dma_start3A_29 : memref<10000x128xf32, #tpu.memory_space<hbm>>) target(%arg9 : memref<80x128xf32, #tpu.memory_space<vmem>>) offsets(%arg7 : memref<80xi32, #tpu.memory_space<vmem>>) semaphore(%arg11 : memref<!tpu.dma_semaphore, #tpu.memory_space<semaphore_mem>>)
      %dma_wait3A = arith.constant 0 : i32
      %dma_wait3A_30 = arith.constant 0 : i32
      %dma_wait3A_31 = tpu.memref_slice %arg2[%dma_wait3A, %dma_wait3A_30] : memref<10000x128xf32, #tpu.memory_space<hbm>> -> memref<10000x128xf32, #tpu.memory_space<hbm>>
      tpu.wait_indirect_dma semaphore(%arg11 : memref<!tpu.dma_semaphore, #tpu.memory_space<semaphore_mem>>) src(%dma_wait3A_31 : memref<10000x128xf32, #tpu.memory_space<hbm>>) dst(%arg9 : memref<80x128xf32, #tpu.memory_space<vmem>>)
      "tpu.region"() ({
        %run_scoped3A = tpu.sem_alloc : memref<!tpu.dma_semaphore, #tpu.memory_space<semaphore_mem>>
        %dma_start3A_32 = arith.constant 0 : i32
        %dma_start3A_33 = arith.constant 0 : i32
        %dma_start3A_34 = tpu.memref_slice %arg10[%dma_start3A_32, %dma_start3A_33] : memref<10000x128xf32, #tpu.memory_space<vmem_shared>> -> memref<10000x128xf32, #tpu.memory_space<vmem_shared>>
        tpu.enqueue_indirect_dma source(%arg9 : memref<80x128xf32, #tpu.memory_space<vmem>>) target(%dma_start3A_34 : memref<10000x128xf32, #tpu.memory_space<vmem_shared>>) offsets(%arg8 : memref<80xi32, #tpu.memory_space<vmem>>) semaphore(%run_scoped3A : memref<!tpu.dma_semaphore, #tpu.memory_space<semaphore_mem>>) {add = true}
        %dma_wait3A_35 = arith.constant 0 : i32
        %dma_wait3A_36 = arith.constant 0 : i32
        %dma_wait3A_37 = tpu.memref_slice %arg10[%dma_wait3A_35, %dma_wait3A_36] : memref<10000x128xf32, #tpu.memory_space<vmem_shared>> -> memref<10000x128xf32, #tpu.memory_space<vmem_shared>>
        tpu.wait_indirect_dma semaphore(%run_scoped3A : memref<!tpu.dma_semaphore, #tpu.memory_space<semaphore_mem>>) src(%arg9 : memref<80x128xf32, #tpu.memory_space<vmem>>) dst(%dma_wait3A_37 : memref<10000x128xf32, #tpu.memory_space<vmem_shared>>)
        tpu.yield
      }) : () -> ()
    }
    %scan3A_13 = arith.constant 125 : i32
    %barrier3A_14 = arith.constant 0 : index
    tpu.barrier barrier_id(%barrier3A_14)
    %mul3A_15 = arith.constant 624 : i32
    %mul3A_16 = arith.muli %arg1, %mul3A_15 : i32
    %mul3A_17 = arith.constant 624 : i32
    %mul3A_18 = arith.muli %arg1, %mul3A_17 : i32
    "tpu.region"() ({
      %run_scoped3A = tpu.sem_alloc : memref<!tpu.dma_semaphore, #tpu.memory_space<semaphore_mem>>
      %dma_start3A = arith.constant 0 : i32
      %dma_start3A_24 = tpu.memref_slice %arg6[%arg0, %mul3A_18, %dma_start3A] : memref<2x10000x128xf32, #tpu.memory_space<hbm>> -> memref<1x624x128xf32, #tpu.memory_space<hbm>>
      %dma_start3A_25 = tpu.memref_squeeze %dma_start3A_24 : memref<1x624x128xf32, #tpu.memory_space<hbm>> -> memref<624x128xf32, #tpu.memory_space<hbm>>
      %dma_start3A_26 = arith.constant 0 : i32
      %dma_start3A_27 = tpu.memref_slice %arg10[%mul3A_16, %dma_start3A_26] : memref<10000x128xf32, #tpu.memory_space<vmem_shared>> -> memref<624x128xf32, #tpu.memory_space<vmem_shared>>
      tpu.enqueue_dma source(%dma_start3A_27 : memref<624x128xf32, #tpu.memory_space<vmem_shared>>) target(%dma_start3A_25 : memref<624x128xf32, #tpu.memory_space<hbm>>) target_semaphore(%run_scoped3A : memref<!tpu.dma_semaphore, #tpu.memory_space<semaphore_mem>>)
      %dma_wait3A = arith.constant 0 : i32
      %dma_wait3A_28 = tpu.memref_slice %arg6[%arg0, %mul3A_18, %dma_wait3A] : memref<2x10000x128xf32, #tpu.memory_space<hbm>> -> memref<1x624x128xf32, #tpu.memory_space<hbm>>
      %dma_wait3A_29 = tpu.memref_squeeze %dma_wait3A_28 : memref<1x624x128xf32, #tpu.memory_space<hbm>> -> memref<624x128xf32, #tpu.memory_space<hbm>>
      %dma_wait3A_30 = arith.constant 0 : i32
      %dma_wait3A_31 = tpu.memref_slice %arg10[%mul3A_16, %dma_wait3A_30] : memref<10000x128xf32, #tpu.memory_space<vmem_shared>> -> memref<624x128xf32, #tpu.memory_space<vmem_shared>>
      tpu.wait_dma2 semaphore(%run_scoped3A : memref<!tpu.dma_semaphore, #tpu.memory_space<semaphore_mem>>) src(%dma_wait3A_31 : memref<624x128xf32, #tpu.memory_space<vmem_shared>>) dst(%dma_wait3A_29 : memref<624x128xf32, #tpu.memory_space<hbm>>)
      tpu.yield
    }) : () -> ()
    %eq3A_19 = arith.constant 15 : i32
    %eq3A_20 = arith.cmpi eq, %arg1, %eq3A_19 : i32
    %convert_element_type3A_21 = arith.extui %eq3A_20 : i1 to i32
    %cond3A_22 = arith.constant 0 : i32
    %cond3A_23 = arith.cmpi ne, %convert_element_type3A_21, %cond3A_22 : i32
    scf.if %cond3A_23 {
      "tpu.region"() ({
        %run_scoped3A = tpu.sem_alloc : memref<!tpu.dma_semaphore, #tpu.memory_space<semaphore_mem>>
        %dma_start3A = arith.constant 9984 : i32
        %dma_start3A_24 = arith.constant 0 : i32
        %dma_start3A_25 = tpu.memref_slice %arg6[%arg0, %dma_start3A, %dma_start3A_24] : memref<2x10000x128xf32, #tpu.memory_space<hbm>> -> memref<1x16x128xf32, #tpu.memory_space<hbm>>
        %dma_start3A_26 = tpu.memref_squeeze %dma_start3A_25 : memref<1x16x128xf32, #tpu.memory_space<hbm>> -> memref<16x128xf32, #tpu.memory_space<hbm>>
        %dma_start3A_27 = arith.constant 9984 : i32
        %dma_start3A_28 = arith.constant 0 : i32
        %dma_start3A_29 = tpu.memref_slice %arg10[%dma_start3A_27, %dma_start3A_28] : memref<10000x128xf32, #tpu.memory_space<vmem_shared>> -> memref<16x128xf32, #tpu.memory_space<vmem_shared>>
        tpu.enqueue_dma source(%dma_start3A_29 : memref<16x128xf32, #tpu.memory_space<vmem_shared>>) target(%dma_start3A_26 : memref<16x128xf32, #tpu.memory_space<hbm>>) target_semaphore(%run_scoped3A : memref<!tpu.dma_semaphore, #tpu.memory_space<semaphore_mem>>)
        %dma_wait3A = arith.constant 9984 : i32
        %dma_wait3A_30 = arith.constant 0 : i32
        %dma_wait3A_31 = tpu.memref_slice %arg6[%arg0, %dma_wait3A, %dma_wait3A_30] : memref<2x10000x128xf32, #tpu.memory_space<hbm>> -> memref<1x16x128xf32, #tpu.memory_space<hbm>>
        %dma_wait3A_32 = tpu.memref_squeeze %dma_wait3A_31 : memref<1x16x128xf32, #tpu.memory_space<hbm>> -> memref<16x128xf32, #tpu.memory_space<hbm>>
        %dma_wait3A_33 = arith.constant 9984 : i32
        %dma_wait3A_34 = arith.constant 0 : i32
        %dma_wait3A_35 = tpu.memref_slice %arg10[%dma_wait3A_33, %dma_wait3A_34] : memref<10000x128xf32, #tpu.memory_space<vmem_shared>> -> memref<16x128xf32, #tpu.memory_space<vmem_shared>>
        tpu.wait_dma2 semaphore(%run_scoped3A : memref<!tpu.dma_semaphore, #tpu.memory_space<semaphore_mem>>) src(%dma_wait3A_35 : memref<16x128xf32, #tpu.memory_space<vmem_shared>>) dst(%dma_wait3A_32 : memref<16x128xf32, #tpu.memory_space<hbm>>)
        tpu.yield
      }) : () -> ()
    } else {
    }
    return
  }
}

#map = affine_map<(d0, d1) -> (0, 0)>
#map1 = affine_map<(d0, d1) -> (0)>
#map2 = affine_map<(d0, d1) -> (0, 0, 0)>
module attributes {stable_mosaic.version = 14 : i64} {
  func.func @_sc_scatter_body(%arg0: i32, %arg1: i32, %arg2: memref<10000x128xf32, #tpu.memory_space<hbm>>, %arg3: memref<320000xi32, #tpu.memory_space<hbm>>, %arg4: memref<320000xi32, #tpu.memory_space<hbm>>, %arg5: memref<10000x128xf32, #tpu.memory_space<hbm>>, %arg6: memref<2x10000x128xf32, #tpu.memory_space<hbm>>, %arg7: memref<80xi32, #tpu.memory_space<vmem>>, %arg8: memref<80xi32, #tpu.memory_space<vmem>>, %arg9: memref<80x128xf32, #tpu.memory_space<vmem>>, %arg10: memref<10000x128xf32, #tpu.memory_space<vmem_shared>>, %arg11: memref<!tpu.dma_semaphore, #tpu.memory_space<semaphore_mem>>) attributes {dimension_semantics = [#tpu.dimension_semantics<core_parallel>, #tpu.dimension_semantics<subcore_parallel>], iteration_bounds = array<i64: 2, 16>, scalar_prefetch = 0 : i64, scratch_operands = 5 : i64, tpu.core_type = #tpu.core_type<sc_vector_subcore>, window_params = [{transform_indices = #map}, {transform_indices = #map1}, {transform_indices = #map1}, {transform_indices = #map}, {transform_indices = #map2}]} {
    %mul3A = arith.constant 624 : i32
    %mul3A_0 = arith.muli %arg1, %mul3A : i32
    %mul3A_1 = arith.constant 624 : i32
    %mul3A_2 = arith.muli %arg1, %mul3A_1 : i32
    "tpu.region"() ({
      %run_scoped3A = tpu.sem_alloc : memref<!tpu.dma_semaphore, #tpu.memory_space<semaphore_mem>>
      %dma_start3A = arith.constant 0 : i32
      %dma_start3A_24 = tpu.memref_slice %arg10[%mul3A_2, %dma_start3A] : memref<10000x128xf32, #tpu.memory_space<vmem_shared>> -> memref<624x128xf32, #tpu.memory_space<vmem_shared>>
      %dma_start3A_25 = arith.constant 0 : i32
      %dma_start3A_26 = tpu.memref_slice %arg5[%mul3A_0, %dma_start3A_25] : memref<10000x128xf32, #tpu.memory_space<hbm>> -> memref<624x128xf32, #tpu.memory_space<hbm>>
      tpu.enqueue_dma source(%dma_start3A_26 : memref<624x128xf32, #tpu.memory_space<hbm>>) target(%dma_start3A_24 : memref<624x128xf32, #tpu.memory_space<vmem_shared>>) target_semaphore(%run_scoped3A : memref<!tpu.dma_semaphore, #tpu.memory_space<semaphore_mem>>)
      %dma_wait3A = arith.constant 0 : i32
      %dma_wait3A_27 = tpu.memref_slice %arg10[%mul3A_2, %dma_wait3A] : memref<10000x128xf32, #tpu.memory_space<vmem_shared>> -> memref<624x128xf32, #tpu.memory_space<vmem_shared>>
      %dma_wait3A_28 = arith.constant 0 : i32
      %dma_wait3A_29 = tpu.memref_slice %arg5[%mul3A_0, %dma_wait3A_28] : memref<10000x128xf32, #tpu.memory_space<hbm>> -> memref<624x128xf32, #tpu.memory_space<hbm>>
      tpu.wait_dma2 semaphore(%run_scoped3A : memref<!tpu.dma_semaphore, #tpu.memory_space<semaphore_mem>>) src(%dma_wait3A_29 : memref<624x128xf32, #tpu.memory_space<hbm>>) dst(%dma_wait3A_27 : memref<624x128xf32, #tpu.memory_space<vmem_shared>>)
      tpu.yield
    }) : () -> ()
    %eq3A = arith.constant 15 : i32
    %eq3A_3 = arith.cmpi eq, %arg1, %eq3A : i32
    %convert_element_type3A = arith.extui %eq3A_3 : i1 to i32
    %cond3A = arith.constant 0 : i32
    %cond3A_4 = arith.cmpi ne, %convert_element_type3A, %cond3A : i32
    scf.if %cond3A_4 {
      "tpu.region"() ({
        %run_scoped3A = tpu.sem_alloc : memref<!tpu.dma_semaphore, #tpu.memory_space<semaphore_mem>>
        %dma_start3A = arith.constant 9984 : i32
        %dma_start3A_24 = arith.constant 0 : i32
        %dma_start3A_25 = tpu.memref_slice %arg10[%dma_start3A, %dma_start3A_24] : memref<10000x128xf32, #tpu.memory_space<vmem_shared>> -> memref<16x128xf32, #tpu.memory_space<vmem_shared>>
        %dma_start3A_26 = arith.constant 9984 : i32
        %dma_start3A_27 = arith.constant 0 : i32
        %dma_start3A_28 = tpu.memref_slice %arg5[%dma_start3A_26, %dma_start3A_27] : memref<10000x128xf32, #tpu.memory_space<hbm>> -> memref<16x128xf32, #tpu.memory_space<hbm>>
        tpu.enqueue_dma source(%dma_start3A_28 : memref<16x128xf32, #tpu.memory_space<hbm>>) target(%dma_start3A_25 : memref<16x128xf32, #tpu.memory_space<vmem_shared>>) target_semaphore(%run_scoped3A : memref<!tpu.dma_semaphore, #tpu.memory_space<semaphore_mem>>)
        %dma_wait3A = arith.constant 9984 : i32
        %dma_wait3A_29 = arith.constant 0 : i32
        %dma_wait3A_30 = tpu.memref_slice %arg10[%dma_wait3A, %dma_wait3A_29] : memref<10000x128xf32, #tpu.memory_space<vmem_shared>> -> memref<16x128xf32, #tpu.memory_space<vmem_shared>>
        %dma_wait3A_31 = arith.constant 9984 : i32
        %dma_wait3A_32 = arith.constant 0 : i32
        %dma_wait3A_33 = tpu.memref_slice %arg5[%dma_wait3A_31, %dma_wait3A_32] : memref<10000x128xf32, #tpu.memory_space<hbm>> -> memref<16x128xf32, #tpu.memory_space<hbm>>
        tpu.wait_dma2 semaphore(%run_scoped3A : memref<!tpu.dma_semaphore, #tpu.memory_space<semaphore_mem>>) src(%dma_wait3A_33 : memref<16x128xf32, #tpu.memory_space<hbm>>) dst(%dma_wait3A_30 : memref<16x128xf32, #tpu.memory_space<vmem_shared>>)
        tpu.yield
      }) : () -> ()
    } else {
    }
    %barrier3A = arith.constant 0 : index
    tpu.barrier barrier_id(%barrier3A)
    %mul3A_5 = arith.constant 2 : i32
    %mul3A_6 = arith.muli %arg1, %mul3A_5 : i32
    %add3A = arith.addi %mul3A_6, %arg0 : i32
    %mul3A_7 = arith.constant 10000 : i32
    %mul3A_8 = arith.muli %add3A, %mul3A_7 : i32
    %scan3A = arith.constant 0 : i32
    %scan3A_9 = arith.constant 0 : i32
    %scan3A_10 = arith.constant 125 : i32
    %scan3A_11 = arith.addi %scan3A_9, %scan3A_10 : i32
    %scan3A_12 = arith.constant 1 : i32
    scf.for %scan3A_24 = %scan3A_9 to %scan3A_11 step %scan3A_12  : i32 {
      %mul3A_25 = arith.constant 80 : i32
      %mul3A_26 = arith.muli %scan3A_24, %mul3A_25 : i32
      %add3A_27 = arith.addi %mul3A_8, %mul3A_26 : i32
      "tpu.region"() ({
        %run_scoped3A = tpu.sem_alloc : memref<!tpu.dma_semaphore, #tpu.memory_space<semaphore_mem>>
        %dma_start3A_32 = tpu.memref_slice %arg3[%add3A_27] : memref<320000xi32, #tpu.memory_space<hbm>> -> memref<80xi32, #tpu.memory_space<hbm>>
        %dma_start3A_33 = tpu.memref_slice %arg3[%add3A_27] : memref<320000xi32, #tpu.memory_space<hbm>> -> memref<80xi32, #tpu.memory_space<hbm>>
        tpu.enqueue_dma source(%dma_start3A_33 : memref<80xi32, #tpu.memory_space<hbm>>) target(%arg7 : memref<80xi32, #tpu.memory_space<vmem>>) target_semaphore(%run_scoped3A : memref<!tpu.dma_semaphore, #tpu.memory_space<semaphore_mem>>)
        %dma_wait3A_34 = tpu.memref_slice %arg3[%add3A_27] : memref<320000xi32, #tpu.memory_space<hbm>> -> memref<80xi32, #tpu.memory_space<hbm>>
        %dma_wait3A_35 = tpu.memref_slice %arg3[%add3A_27] : memref<320000xi32, #tpu.memory_space<hbm>> -> memref<80xi32, #tpu.memory_space<hbm>>
        tpu.wait_dma2 semaphore(%run_scoped3A : memref<!tpu.dma_semaphore, #tpu.memory_space<semaphore_mem>>) src(%dma_wait3A_35 : memref<80xi32, #tpu.memory_space<hbm>>) dst(%arg7 : memref<80xi32, #tpu.memory_space<vmem>>)
        tpu.yield
      }) : () -> ()
      "tpu.region"() ({
        %run_scoped3A = tpu.sem_alloc : memref<!tpu.dma_semaphore, #tpu.memory_space<semaphore_mem>>
        %dma_start3A_32 = tpu.memref_slice %arg4[%add3A_27] : memref<320000xi32, #tpu.memory_space<hbm>> -> memref<80xi32, #tpu.memory_space<hbm>>
        %dma_start3A_33 = tpu.memref_slice %arg4[%add3A_27] : memref<320000xi32, #tpu.memory_space<hbm>> -> memref<80xi32, #tpu.memory_space<hbm>>
        tpu.enqueue_dma source(%dma_start3A_33 : memref<80xi32, #tpu.memory_space<hbm>>) target(%arg8 : memref<80xi32, #tpu.memory_space<vmem>>) target_semaphore(%run_scoped3A : memref<!tpu.dma_semaphore, #tpu.memory_space<semaphore_mem>>)
        %dma_wait3A_34 = tpu.memref_slice %arg4[%add3A_27] : memref<320000xi32, #tpu.memory_space<hbm>> -> memref<80xi32, #tpu.memory_space<hbm>>
        %dma_wait3A_35 = tpu.memref_slice %arg4[%add3A_27] : memref<320000xi32, #tpu.memory_space<hbm>> -> memref<80xi32, #tpu.memory_space<hbm>>
        tpu.wait_dma2 semaphore(%run_scoped3A : memref<!tpu.dma_semaphore, #tpu.memory_space<semaphore_mem>>) src(%dma_wait3A_35 : memref<80xi32, #tpu.memory_space<hbm>>) dst(%arg8 : memref<80xi32, #tpu.memory_space<vmem>>)
        tpu.yield
      }) : () -> ()
      %dma_start3A = arith.constant 0 : i32
      %dma_start3A_28 = arith.constant 0 : i32
      %dma_start3A_29 = tpu.memref_slice %arg2[%dma_start3A, %dma_start3A_28] : memref<10000x128xf32, #tpu.memory_space<hbm>> -> memref<10000x128xf32, #tpu.memory_space<hbm>>
      tpu.enqueue_indirect_dma source(%dma_start3A_29 : memref<10000x128xf32, #tpu.memory_space<hbm>>) target(%arg9 : memref<80x128xf32, #tpu.memory_space<vmem>>) offsets(%arg7 : memref<80xi32, #tpu.memory_space<vmem>>) semaphore(%arg11 : memref<!tpu.dma_semaphore, #tpu.memory_space<semaphore_mem>>)
      %dma_wait3A = arith.constant 0 : i32
      %dma_wait3A_30 = arith.constant 0 : i32
      %dma_wait3A_31 = tpu.memref_slice %arg2[%dma_wait3A, %dma_wait3A_30] : memref<10000x128xf32, #tpu.memory_space<hbm>> -> memref<10000x128xf32, #tpu.memory_space<hbm>>
      tpu.wait_indirect_dma semaphore(%arg11 : memref<!tpu.dma_semaphore, #tpu.memory_space<semaphore_mem>>) src(%dma_wait3A_31 : memref<10000x128xf32, #tpu.memory_space<hbm>>) dst(%arg9 : memref<80x128xf32, #tpu.memory_space<vmem>>)
      "tpu.region"() ({
        %run_scoped3A = tpu.sem_alloc : memref<!tpu.dma_semaphore, #tpu.memory_space<semaphore_mem>>
        %dma_start3A_32 = arith.constant 0 : i32
        %dma_start3A_33 = arith.constant 0 : i32
        %dma_start3A_34 = tpu.memref_slice %arg10[%dma_start3A_32, %dma_start3A_33] : memref<10000x128xf32, #tpu.memory_space<vmem_shared>> -> memref<10000x128xf32, #tpu.memory_space<vmem_shared>>
        tpu.enqueue_indirect_dma source(%arg9 : memref<80x128xf32, #tpu.memory_space<vmem>>) target(%dma_start3A_34 : memref<10000x128xf32, #tpu.memory_space<vmem_shared>>) offsets(%arg8 : memref<80xi32, #tpu.memory_space<vmem>>) semaphore(%run_scoped3A : memref<!tpu.dma_semaphore, #tpu.memory_space<semaphore_mem>>) {add = true}
        %dma_wait3A_35 = arith.constant 0 : i32
        %dma_wait3A_36 = arith.constant 0 : i32
        %dma_wait3A_37 = tpu.memref_slice %arg10[%dma_wait3A_35, %dma_wait3A_36] : memref<10000x128xf32, #tpu.memory_space<vmem_shared>> -> memref<10000x128xf32, #tpu.memory_space<vmem_shared>>
        tpu.wait_indirect_dma semaphore(%run_scoped3A : memref<!tpu.dma_semaphore, #tpu.memory_space<semaphore_mem>>) src(%arg9 : memref<80x128xf32, #tpu.memory_space<vmem>>) dst(%dma_wait3A_37 : memref<10000x128xf32, #tpu.memory_space<vmem_shared>>)
        tpu.yield
      }) : () -> ()
    }
    %scan3A_13 = arith.constant 125 : i32
    %barrier3A_14 = arith.constant 0 : index
    tpu.barrier barrier_id(%barrier3A_14)
    %mul3A_15 = arith.constant 624 : i32
    %mul3A_16 = arith.muli %arg1, %mul3A_15 : i32
    %mul3A_17 = arith.constant 624 : i32
    %mul3A_18 = arith.muli %arg1, %mul3A_17 : i32
    "tpu.region"() ({
      %run_scoped3A = tpu.sem_alloc : memref<!tpu.dma_semaphore, #tpu.memory_space<semaphore_mem>>
      %dma_start3A = arith.constant 0 : i32
      %dma_start3A_24 = tpu.memref_slice %arg6[%arg0, %mul3A_18, %dma_start3A] : memref<2x10000x128xf32, #tpu.memory_space<hbm>> -> memref<1x624x128xf32, #tpu.memory_space<hbm>>
      %dma_start3A_25 = tpu.memref_squeeze %dma_start3A_24 : memref<1x624x128xf32, #tpu.memory_space<hbm>> -> memref<624x128xf32, #tpu.memory_space<hbm>>
      %dma_start3A_26 = arith.constant 0 : i32
      %dma_start3A_27 = tpu.memref_slice %arg10[%mul3A_16, %dma_start3A_26] : memref<10000x128xf32, #tpu.memory_space<vmem_shared>> -> memref<624x128xf32, #tpu.memory_space<vmem_shared>>
      tpu.enqueue_dma source(%dma_start3A_27 : memref<624x128xf32, #tpu.memory_space<vmem_shared>>) target(%dma_start3A_25 : memref<624x128xf32, #tpu.memory_space<hbm>>) target_semaphore(%run_scoped3A : memref<!tpu.dma_semaphore, #tpu.memory_space<semaphore_mem>>)
      %dma_wait3A = arith.constant 0 : i32
      %dma_wait3A_28 = tpu.memref_slice %arg6[%arg0, %mul3A_18, %dma_wait3A] : memref<2x10000x128xf32, #tpu.memory_space<hbm>> -> memref<1x624x128xf32, #tpu.memory_space<hbm>>
      %dma_wait3A_29 = tpu.memref_squeeze %dma_wait3A_28 : memref<1x624x128xf32, #tpu.memory_space<hbm>> -> memref<624x128xf32, #tpu.memory_space<hbm>>
      %dma_wait3A_30 = arith.constant 0 : i32
      %dma_wait3A_31 = tpu.memref_slice %arg10[%mul3A_16, %dma_wait3A_30] : memref<10000x128xf32, #tpu.memory_space<vmem_shared>> -> memref<624x128xf32, #tpu.memory_space<vmem_shared>>
      tpu.wait_dma2 semaphore(%run_scoped3A : memref<!tpu.dma_semaphore, #tpu.memory_space<semaphore_mem>>) src(%dma_wait3A_31 : memref<624x128xf32, #tpu.memory_space<vmem_shared>>) dst(%dma_wait3A_29 : memref<624x128xf32, #tpu.memory_space<hbm>>)
      tpu.yield
    }) : () -> ()
    %eq3A_19 = arith.constant 15 : i32
    %eq3A_20 = arith.cmpi eq, %arg1, %eq3A_19 : i32
    %convert_element_type3A_21 = arith.extui %eq3A_20 : i1 to i32
    %cond3A_22 = arith.constant 0 : i32
    %cond3A_23 = arith.cmpi ne, %convert_element_type3A_21, %cond3A_22 : i32
    scf.if %cond3A_23 {
      "tpu.region"() ({
        %run_scoped3A = tpu.sem_alloc : memref<!tpu.dma_semaphore, #tpu.memory_space<semaphore_mem>>
        %dma_start3A = arith.constant 9984 : i32
        %dma_start3A_24 = arith.constant 0 : i32
        %dma_start3A_25 = tpu.memref_slice %arg6[%arg0, %dma_start3A, %dma_start3A_24] : memref<2x10000x128xf32, #tpu.memory_space<hbm>> -> memref<1x16x128xf32, #tpu.memory_space<hbm>>
        %dma_start3A_26 = tpu.memref_squeeze %dma_start3A_25 : memref<1x16x128xf32, #tpu.memory_space<hbm>> -> memref<16x128xf32, #tpu.memory_space<hbm>>
        %dma_start3A_27 = arith.constant 9984 : i32
        %dma_start3A_28 = arith.constant 0 : i32
        %dma_start3A_29 = tpu.memref_slice %arg10[%dma_start3A_27, %dma_start3A_28] : memref<10000x128xf32, #tpu.memory_space<vmem_shared>> -> memref<16x128xf32, #tpu.memory_space<vmem_shared>>
        tpu.enqueue_dma source(%dma_start3A_29 : memref<16x128xf32, #tpu.memory_space<vmem_shared>>) target(%dma_start3A_26 : memref<16x128xf32, #tpu.memory_space<hbm>>) target_semaphore(%run_scoped3A : memref<!tpu.dma_semaphore, #tpu.memory_space<semaphore_mem>>)
        %dma_wait3A = arith.constant 9984 : i32
        %dma_wait3A_30 = arith.constant 0 : i32
        %dma_wait3A_31 = tpu.memref_slice %arg6[%arg0, %dma_wait3A, %dma_wait3A_30] : memref<2x10000x128xf32, #tpu.memory_space<hbm>> -> memref<1x16x128xf32, #tpu.memory_space<hbm>>
        %dma_wait3A_32 = tpu.memref_squeeze %dma_wait3A_31 : memref<1x16x128xf32, #tpu.memory_space<hbm>> -> memref<16x128xf32, #tpu.memory_space<hbm>>
        %dma_wait3A_33 = arith.constant 9984 : i32
        %dma_wait3A_34 = arith.constant 0 : i32
        %dma_wait3A_35 = tpu.memref_slice %arg10[%dma_wait3A_33, %dma_wait3A_34] : memref<10000x128xf32, #tpu.memory_space<vmem_shared>> -> memref<16x128xf32, #tpu.memory_space<vmem_shared>>
        tpu.wait_dma2 semaphore(%run_scoped3A : memref<!tpu.dma_semaphore, #tpu.memory_space<semaphore_mem>>) src(%dma_wait3A_35 : memref<16x128xf32, #tpu.memory_space<vmem_shared>>) dst(%dma_wait3A_32 : memref<16x128xf32, #tpu.memory_space<hbm>>)
        tpu.yield
      }) : () -> ()
    } else {
    }
    return
  }
}

module attributes {stable_mosaic.version = 14 : i64} {
  func.func @_tc_layer_body(%arg0: i32, %arg1: memref<1x1x1000xi32, #tpu.memory_space<vmem>>, %arg2: memref<1000x128xf32, #tpu.memory_space<vmem>>, %arg3: memref<1000x128xf32, #tpu.memory_space<vmem>>, %arg4: memref<1000x128xf32, #tpu.memory_space<vmem>>, %arg5: memref<128x128xf32, #tpu.memory_space<vmem>>, %arg6: memref<1x128xf32, #tpu.memory_space<vmem>>, %arg7: memref<128x128xf32, #tpu.memory_space<vmem>>, %arg8: memref<1x128xf32, #tpu.memory_space<vmem>>, %arg9: memref<1x128xf32, #tpu.memory_space<vmem>>, %arg10: memref<1x128xf32, #tpu.memory_space<vmem>>, %arg11: memref<1x128xf32, #tpu.memory_space<vmem>>, %arg12: memref<1x128xf32, #tpu.memory_space<vmem>>, %arg13: memref<1000x128xf32, #tpu.memory_space<vmem>>, %arg14: memref<64x128xf32, #tpu.memory_space<vmem>>) attributes {dimension_semantics = [#tpu.dimension_semantics<arbitrary>], iteration_bounds = array<i64: 10>, scalar_prefetch = 0 : i64, scratch_operands = 0 : i64, tpu.core_type = #tpu.core_type<tc>, window_params = [{transform_indices = @transform_0, window_bounds = array<i64: 1, 1, 1000>}, {transform_indices = @transform_1, window_bounds = array<i64: 1000, 128>}, {transform_indices = @transform_2, window_bounds = array<i64: 1000, 128>}, {transform_indices = @transform_3, window_bounds = array<i64: 1000, 128>}, {pipeline_mode = #tpu.pipeline_mode<synchronous>, transform_indices = @transform_4, window_bounds = array<i64: 128, 128>}, {pipeline_mode = #tpu.pipeline_mode<synchronous>, transform_indices = @transform_5, window_bounds = array<i64: 1, 128>}, {pipeline_mode = #tpu.pipeline_mode<synchronous>, transform_indices = @transform_6, window_bounds = array<i64: 128, 128>}, {pipeline_mode = #tpu.pipeline_mode<synchronous>, transform_indices = @transform_7, window_bounds = array<i64: 1, 128>}, {pipeline_mode = #tpu.pipeline_mode<synchronous>, transform_indices = @transform_8, window_bounds = array<i64: 1, 128>}, {pipeline_mode = #tpu.pipeline_mode<synchronous>, transform_indices = @transform_9, window_bounds = array<i64: 1, 128>}, {pipeline_mode = #tpu.pipeline_mode<synchronous>, transform_indices = @transform_10, window_bounds = array<i64: 1, 128>}, {pipeline_mode = #tpu.pipeline_mode<synchronous>, transform_indices = @transform_11, window_bounds = array<i64: 1, 128>}, {transform_indices = @transform_12, window_bounds = array<i64: 1000, 128>}, {pipeline_mode = #tpu.pipeline_mode<synchronous>, transform_indices = @transform_13, window_bounds = array<i64: 64, 128>}]} {
    %get3A = arith.constant 0 : index
    %get3A_0 = arith.constant 0 : index
    %get3A_1 = vector.load %arg2[%get3A, %get3A_0] : memref<1000x128xf32, #tpu.memory_space<vmem>>, vector<1000x128xf32>
    %get3A_2 = arith.constant 0 : index
    %get3A_3 = arith.constant 0 : index
    %get3A_4 = vector.load %arg3[%get3A_2, %get3A_3] : memref<1000x128xf32, #tpu.memory_space<vmem>>, vector<1000x128xf32>
    %add3A = arith.addf %get3A_1, %get3A_4 : vector<1000x128xf32>
    %get3A_5 = arith.constant 0 : index
    %get3A_6 = arith.constant 0 : index
    %get3A_7 = vector.load %arg4[%get3A_5, %get3A_6] : memref<1000x128xf32, #tpu.memory_space<vmem>>, vector<1000x128xf32>
    %add3A_8 = arith.addf %add3A, %get3A_7 : vector<1000x128xf32>
    %get3A_9 = arith.constant 0 : index
    %get3A_10 = arith.constant 0 : index
    %get3A_11 = vector.load %arg5[%get3A_9, %get3A_10] : memref<128x128xf32, #tpu.memory_space<vmem>>, vector<128x128xf32>
    %dot_general3A = arith.constant dense<0.000000e+00> : vector<1000x128xf32>
    %dot_general3A_12 = tpu.matmul %add3A_8, %get3A_11, %dot_general3A {dimension_numbers = #tpu.dot_dimension_numbers<[1], [0], [0], [1], [0, 0, 1, 1], [], []>, transpose_lhs_hint = false} : vector<1000x128xf32>, vector<128x128xf32>, vector<1000x128xf32> -> vector<1000x128xf32>
    %get3A_13 = arith.constant 0 : index
    %get3A_14 = arith.constant 0 : index
    %get3A_15 = vector.load %arg6[%get3A_13, %get3A_14] : memref<1x128xf32, #tpu.memory_space<vmem>>, vector<1x128xf32>
    %add3A_16 = vector.broadcast %get3A_15 : vector<1x128xf32> to vector<1000x128xf32>
    %add3A_17 = arith.addf %dot_general3A_12, %add3A_16 : vector<1000x128xf32>
    %max3A = arith.constant 0.000000e+00 : f32
    %max3A_18 = vector.broadcast %max3A : f32 to vector<1000x128xf32>
    %max3A_19 = arith.maximumf %add3A_17, %max3A_18 : vector<1000x128xf32>
    %get3A_20 = arith.constant 0 : index
    %get3A_21 = arith.constant 0 : index
    %get3A_22 = vector.load %arg7[%get3A_20, %get3A_21] : memref<128x128xf32, #tpu.memory_space<vmem>>, vector<128x128xf32>
    %dot_general3A_23 = arith.constant dense<0.000000e+00> : vector<1000x128xf32>
    %dot_general3A_24 = tpu.matmul %max3A_19, %get3A_22, %dot_general3A_23 {dimension_numbers = #tpu.dot_dimension_numbers<[1], [0], [0], [1], [0, 0, 1, 1], [], []>, transpose_lhs_hint = false} : vector<1000x128xf32>, vector<128x128xf32>, vector<1000x128xf32> -> vector<1000x128xf32>
    %get3A_25 = arith.constant 0 : index
    %get3A_26 = arith.constant 0 : index
    %get3A_27 = vector.load %arg8[%get3A_25, %get3A_26] : memref<1x128xf32, #tpu.memory_space<vmem>>, vector<1x128xf32>
    %add3A_28 = vector.broadcast %get3A_27 : vector<1x128xf32> to vector<1000x128xf32>
    %add3A_29 = arith.addf %dot_general3A_24, %add3A_28 : vector<1000x128xf32>
    %get3A_30 = arith.constant 0 : index
    %get3A_31 = arith.constant 0 : index
    %get3A_32 = vector.load %arg9[%get3A_30, %get3A_31] : memref<1x128xf32, #tpu.memory_space<vmem>>, vector<1x128xf32>
    %sub3A = vector.broadcast %get3A_32 : vector<1x128xf32> to vector<1000x128xf32>
    %sub3A_33 = arith.subf %add3A_29, %sub3A : vector<1000x128xf32>
    %get3A_34 = arith.constant 0 : index
    %get3A_35 = arith.constant 0 : index
    %get3A_36 = vector.load %arg10[%get3A_34, %get3A_35] : memref<1x128xf32, #tpu.memory_space<vmem>>, vector<1x128xf32>
    %div3A = vector.broadcast %get3A_36 : vector<1x128xf32> to vector<1000x128xf32>
    %div3A_37 = arith.divf %sub3A_33, %div3A : vector<1000x128xf32>
    %get3A_38 = arith.constant 0 : index
    %get3A_39 = arith.constant 0 : index
    %get3A_40 = vector.load %arg11[%get3A_38, %get3A_39] : memref<1x128xf32, #tpu.memory_space<vmem>>, vector<1x128xf32>
    %mul3A = vector.broadcast %get3A_40 : vector<1x128xf32> to vector<1000x128xf32>
    %mul3A_41 = arith.mulf %div3A_37, %mul3A : vector<1000x128xf32>
    %get3A_42 = arith.constant 0 : index
    %get3A_43 = arith.constant 0 : index
    %get3A_44 = vector.load %arg12[%get3A_42, %get3A_43] : memref<1x128xf32, #tpu.memory_space<vmem>>, vector<1x128xf32>
    %add3A_45 = vector.broadcast %get3A_44 : vector<1x128xf32> to vector<1000x128xf32>
    %add3A_46 = arith.addf %mul3A_41, %add3A_45 : vector<1000x128xf32>
    %max3A_47 = arith.constant 0.000000e+00 : f32
    %max3A_48 = vector.broadcast %max3A_47 : f32 to vector<1000x128xf32>
    %max3A_49 = arith.maximumf %add3A_46, %max3A_48 : vector<1000x128xf32>
    %swap3A = arith.constant 0 : index
    %swap3A_50 = arith.constant 0 : index
    %swap3A_51 = vector.load %arg13[%swap3A, %swap3A_50] : memref<1000x128xf32, #tpu.memory_space<vmem>>, vector<1000x128xf32>
    tpu.vector_store %arg13[%swap3A, %swap3A_50], %max3A_49 {strides = array<i32>} : memref<1000x128xf32, #tpu.memory_space<vmem>>, vector<1000x128xf32>,
    %get3A_52 = arith.constant 0 : index
    %get3A_53 = arith.constant 0 : index
    %get3A_54 = arith.constant 0 : index
    %get3A_55 = vector.load %arg1[%get3A_52, %get3A_53, %get3A_54] : memref<1x1x1000xi32, #tpu.memory_space<vmem>>, vector<1x1x1000xi32>
    %get3A_56 = vector.shape_cast %get3A_55 : vector<1x1x1000xi32> to vector<1000xi32>
    %iota3A = tpu.iota {dimensions = array<i32: 0>} : vector<64x1000xi32>
    %broadcast_in_dim3A = vector.shape_cast %get3A_56 : vector<1000xi32> to vector<1x1000xi32>
    %eq3A = vector.broadcast %broadcast_in_dim3A : vector<1x1000xi32> to vector<64x1000xi32>
    %eq3A_57 = arith.cmpi eq, %iota3A, %eq3A : vector<64x1000xi32>
    %convert_element_type3A = arith.extui %eq3A_57 : vector<64x1000xi1> to vector<64x1000xi32>
    %convert_element_type3A_58 = arith.sitofp %convert_element_type3A : vector<64x1000xi32> to vector<64x1000xf32>
    %dot_general3A_59 = arith.constant dense<0.000000e+00> : vector<64x128xf32>
    %dot_general3A_60 = tpu.matmul %convert_element_type3A_58, %max3A_49, %dot_general3A_59 {dimension_numbers = #tpu.dot_dimension_numbers<[1], [0], [0], [1], [0, 0, 1, 1], [], []>, precision = #tpu.contract_precision<fp32>, transpose_lhs_hint = false} : vector<64x1000xf32>, vector<1000x128xf32>, vector<64x128xf32> -> vector<64x128xf32>
    %eq3A_61 = arith.constant 0 : i32
    %eq3A_62 = arith.cmpi eq, %arg0, %eq3A_61 : i32
    %convert_element_type3A_63 = arith.extui %eq3A_62 : i1 to i32
    %cond3A = arith.constant 0 : i32
    %cond3A_64 = arith.cmpi ne, %convert_element_type3A_63, %cond3A : i32
    scf.if %cond3A_64 {
      %swap3A_69 = arith.constant 0 : index
      %swap3A_70 = arith.constant 0 : index
      %swap3A_71 = vector.load %arg14[%swap3A_69, %swap3A_70] : memref<64x128xf32, #tpu.memory_space<vmem>>, vector<64x128xf32>
      tpu.vector_store %arg14[%swap3A_69, %swap3A_70], %dot_general3A_60 {strides = array<i32>} : memref<64x128xf32, #tpu.memory_space<vmem>>, vector<64x128xf32>,
    } else {
    }
    %ne3A = arith.constant 0 : i32
    %ne3A_65 = arith.cmpi ne, %arg0, %ne3A : i32
    %convert_element_type3A_66 = arith.extui %ne3A_65 : i1 to i32
    %cond3A_67 = arith.constant 0 : i32
    %cond3A_68 = arith.cmpi ne, %convert_element_type3A_66, %cond3A_67 : i32
    scf.if %cond3A_68 {
      %get3A_69 = arith.constant 0 : index
      %get3A_70 = arith.constant 0 : index
      %get3A_71 = vector.load %arg14[%get3A_69, %get3A_70] : memref<64x128xf32, #tpu.memory_space<vmem>>, vector<64x128xf32>
      %add3A_72 = arith.addf %get3A_71, %dot_general3A_60 : vector<64x128xf32>
      %swap3A_73 = arith.constant 0 : index
      %swap3A_74 = arith.constant 0 : index
      %swap3A_75 = vector.load %arg14[%swap3A_73, %swap3A_74] : memref<64x128xf32, #tpu.memory_space<vmem>>, vector<64x128xf32>
      tpu.vector_store %arg14[%swap3A_73, %swap3A_74], %add3A_72 {strides = array<i32>} : memref<64x128xf32, #tpu.memory_space<vmem>>, vector<64x128xf32>,
    } else {
    }
    return
  }
  func.func @transform_0(%arg0: i32) -> (i32, i32, i32) {
    %c0_i32 = arith.constant 0 : i32
    %c0_i32_0 = arith.constant 0 : i32
    %c0_i32_1 = arith.constant 0 : i32
    return %arg0, %c0_i32, %c0_i32_0 : i32, i32, i32
  }
  func.func @transform_1(%arg0: i32) -> (i32, i32) {
    %c0_i32 = arith.constant 0 : i32
    %c0_i32_0 = arith.constant 0 : i32
    return %arg0, %c0_i32 : i32, i32
  }
  func.func @transform_2(%arg0: i32) -> (i32, i32) {
    %c0_i32 = arith.constant 0 : i32
    %c0_i32_0 = arith.constant 0 : i32
    return %arg0, %c0_i32 : i32, i32
  }
  func.func @transform_3(%arg0: i32) -> (i32, i32) {
    %c0_i32 = arith.constant 0 : i32
    %c0_i32_0 = arith.constant 0 : i32
    return %arg0, %c0_i32 : i32, i32
  }
  func.func @transform_4(%arg0: i32) -> (i32, i32) {
    %c0_i32 = arith.constant 0 : i32
    %c0_i32_0 = arith.constant 0 : i32
    %c0_i32_1 = arith.constant 0 : i32
    return %c0_i32, %c0_i32_0 : i32, i32
  }
  func.func @transform_5(%arg0: i32) -> (i32, i32) {
    %c0_i32 = arith.constant 0 : i32
    %c0_i32_0 = arith.constant 0 : i32
    %c0_i32_1 = arith.constant 0 : i32
    return %c0_i32, %c0_i32_0 : i32, i32
  }
  func.func @transform_6(%arg0: i32) -> (i32, i32) {
    %c0_i32 = arith.constant 0 : i32
    %c0_i32_0 = arith.constant 0 : i32
    %c0_i32_1 = arith.constant 0 : i32
    return %c0_i32, %c0_i32_0 : i32, i32
  }
  func.func @transform_7(%arg0: i32) -> (i32, i32) {
    %c0_i32 = arith.constant 0 : i32
    %c0_i32_0 = arith.constant 0 : i32
    %c0_i32_1 = arith.constant 0 : i32
    return %c0_i32, %c0_i32_0 : i32, i32
  }
  func.func @transform_8(%arg0: i32) -> (i32, i32) {
    %c0_i32 = arith.constant 0 : i32
    %c0_i32_0 = arith.constant 0 : i32
    %c0_i32_1 = arith.constant 0 : i32
    return %c0_i32, %c0_i32_0 : i32, i32
  }
  func.func @transform_9(%arg0: i32) -> (i32, i32) {
    %c0_i32 = arith.constant 0 : i32
    %c0_i32_0 = arith.constant 0 : i32
    %c0_i32_1 = arith.constant 0 : i32
    return %c0_i32, %c0_i32_0 : i32, i32
  }
  func.func @transform_10(%arg0: i32) -> (i32, i32) {
    %c0_i32 = arith.constant 0 : i32
    %c0_i32_0 = arith.constant 0 : i32
    %c0_i32_1 = arith.constant 0 : i32
    return %c0_i32, %c0_i32_0 : i32, i32
  }
  func.func @transform_11(%arg0: i32) -> (i32, i32) {
    %c0_i32 = arith.constant 0 : i32
    %c0_i32_0 = arith.constant 0 : i32
    %c0_i32_1 = arith.constant 0 : i32
    return %c0_i32, %c0_i32_0 : i32, i32
  }
  func.func @transform_12(%arg0: i32) -> (i32, i32) {
    %c0_i32 = arith.constant 0 : i32
    %c0_i32_0 = arith.constant 0 : i32
    return %arg0, %c0_i32 : i32, i32
  }
  func.func @transform_13(%arg0: i32) -> (i32, i32) {
    %c0_i32 = arith.constant 0 : i32
    %c0_i32_0 = arith.constant 0 : i32
    %c0_i32_1 = arith.constant 0 : i32
    return %c0_i32, %c0_i32_0 : i32, i32
  }
}

module attributes {stable_mosaic.version = 14 : i64} {
  func.func @_tc_layer_body(%arg0: i32, %arg1: memref<1x1x1000xi32, #tpu.memory_space<vmem>>, %arg2: memref<1000x128xf32, #tpu.memory_space<vmem>>, %arg3: memref<1000x128xf32, #tpu.memory_space<vmem>>, %arg4: memref<1000x128xf32, #tpu.memory_space<vmem>>, %arg5: memref<128x128xf32, #tpu.memory_space<vmem>>, %arg6: memref<1x128xf32, #tpu.memory_space<vmem>>, %arg7: memref<128x128xf32, #tpu.memory_space<vmem>>, %arg8: memref<1x128xf32, #tpu.memory_space<vmem>>, %arg9: memref<1x128xf32, #tpu.memory_space<vmem>>, %arg10: memref<1x128xf32, #tpu.memory_space<vmem>>, %arg11: memref<1x128xf32, #tpu.memory_space<vmem>>, %arg12: memref<1x128xf32, #tpu.memory_space<vmem>>, %arg13: memref<1000x128xf32, #tpu.memory_space<vmem>>, %arg14: memref<64x128xf32, #tpu.memory_space<vmem>>) attributes {dimension_semantics = [#tpu.dimension_semantics<arbitrary>], iteration_bounds = array<i64: 10>, scalar_prefetch = 0 : i64, scratch_operands = 0 : i64, tpu.core_type = #tpu.core_type<tc>, window_params = [{transform_indices = @transform_0, window_bounds = array<i64: 1, 1, 1000>}, {transform_indices = @transform_1, window_bounds = array<i64: 1000, 128>}, {transform_indices = @transform_2, window_bounds = array<i64: 1000, 128>}, {transform_indices = @transform_3, window_bounds = array<i64: 1000, 128>}, {pipeline_mode = #tpu.pipeline_mode<synchronous>, transform_indices = @transform_4, window_bounds = array<i64: 128, 128>}, {pipeline_mode = #tpu.pipeline_mode<synchronous>, transform_indices = @transform_5, window_bounds = array<i64: 1, 128>}, {pipeline_mode = #tpu.pipeline_mode<synchronous>, transform_indices = @transform_6, window_bounds = array<i64: 128, 128>}, {pipeline_mode = #tpu.pipeline_mode<synchronous>, transform_indices = @transform_7, window_bounds = array<i64: 1, 128>}, {pipeline_mode = #tpu.pipeline_mode<synchronous>, transform_indices = @transform_8, window_bounds = array<i64: 1, 128>}, {pipeline_mode = #tpu.pipeline_mode<synchronous>, transform_indices = @transform_9, window_bounds = array<i64: 1, 128>}, {pipeline_mode = #tpu.pipeline_mode<synchronous>, transform_indices = @transform_10, window_bounds = array<i64: 1, 128>}, {pipeline_mode = #tpu.pipeline_mode<synchronous>, transform_indices = @transform_11, window_bounds = array<i64: 1, 128>}, {transform_indices = @transform_12, window_bounds = array<i64: 1000, 128>}, {pipeline_mode = #tpu.pipeline_mode<synchronous>, transform_indices = @transform_13, window_bounds = array<i64: 64, 128>}]} {
    %get3A = arith.constant 0 : index
    %get3A_0 = arith.constant 0 : index
    %get3A_1 = vector.load %arg2[%get3A, %get3A_0] : memref<1000x128xf32, #tpu.memory_space<vmem>>, vector<1000x128xf32>
    %get3A_2 = arith.constant 0 : index
    %get3A_3 = arith.constant 0 : index
    %get3A_4 = vector.load %arg3[%get3A_2, %get3A_3] : memref<1000x128xf32, #tpu.memory_space<vmem>>, vector<1000x128xf32>
    %add3A = arith.addf %get3A_1, %get3A_4 : vector<1000x128xf32>
    %get3A_5 = arith.constant 0 : index
    %get3A_6 = arith.constant 0 : index
    %get3A_7 = vector.load %arg4[%get3A_5, %get3A_6] : memref<1000x128xf32, #tpu.memory_space<vmem>>, vector<1000x128xf32>
    %add3A_8 = arith.addf %add3A, %get3A_7 : vector<1000x128xf32>
    %get3A_9 = arith.constant 0 : index
    %get3A_10 = arith.constant 0 : index
    %get3A_11 = vector.load %arg5[%get3A_9, %get3A_10] : memref<128x128xf32, #tpu.memory_space<vmem>>, vector<128x128xf32>
    %dot_general3A = arith.constant dense<0.000000e+00> : vector<1000x128xf32>
    %dot_general3A_12 = tpu.matmul %add3A_8, %get3A_11, %dot_general3A {dimension_numbers = #tpu.dot_dimension_numbers<[1], [0], [0], [1], [0, 0, 1, 1], [], []>, transpose_lhs_hint = false} : vector<1000x128xf32>, vector<128x128xf32>, vector<1000x128xf32> -> vector<1000x128xf32>
    %get3A_13 = arith.constant 0 : index
    %get3A_14 = arith.constant 0 : index
    %get3A_15 = vector.load %arg6[%get3A_13, %get3A_14] : memref<1x128xf32, #tpu.memory_space<vmem>>, vector<1x128xf32>
    %add3A_16 = vector.broadcast %get3A_15 : vector<1x128xf32> to vector<1000x128xf32>
    %add3A_17 = arith.addf %dot_general3A_12, %add3A_16 : vector<1000x128xf32>
    %max3A = arith.constant 0.000000e+00 : f32
    %max3A_18 = vector.broadcast %max3A : f32 to vector<1000x128xf32>
    %max3A_19 = arith.maximumf %add3A_17, %max3A_18 : vector<1000x128xf32>
    %get3A_20 = arith.constant 0 : index
    %get3A_21 = arith.constant 0 : index
    %get3A_22 = vector.load %arg7[%get3A_20, %get3A_21] : memref<128x128xf32, #tpu.memory_space<vmem>>, vector<128x128xf32>
    %dot_general3A_23 = arith.constant dense<0.000000e+00> : vector<1000x128xf32>
    %dot_general3A_24 = tpu.matmul %max3A_19, %get3A_22, %dot_general3A_23 {dimension_numbers = #tpu.dot_dimension_numbers<[1], [0], [0], [1], [0, 0, 1, 1], [], []>, transpose_lhs_hint = false} : vector<1000x128xf32>, vector<128x128xf32>, vector<1000x128xf32> -> vector<1000x128xf32>
    %get3A_25 = arith.constant 0 : index
    %get3A_26 = arith.constant 0 : index
    %get3A_27 = vector.load %arg8[%get3A_25, %get3A_26] : memref<1x128xf32, #tpu.memory_space<vmem>>, vector<1x128xf32>
    %add3A_28 = vector.broadcast %get3A_27 : vector<1x128xf32> to vector<1000x128xf32>
    %add3A_29 = arith.addf %dot_general3A_24, %add3A_28 : vector<1000x128xf32>
    %get3A_30 = arith.constant 0 : index
    %get3A_31 = arith.constant 0 : index
    %get3A_32 = vector.load %arg9[%get3A_30, %get3A_31] : memref<1x128xf32, #tpu.memory_space<vmem>>, vector<1x128xf32>
    %sub3A = vector.broadcast %get3A_32 : vector<1x128xf32> to vector<1000x128xf32>
    %sub3A_33 = arith.subf %add3A_29, %sub3A : vector<1000x128xf32>
    %get3A_34 = arith.constant 0 : index
    %get3A_35 = arith.constant 0 : index
    %get3A_36 = vector.load %arg10[%get3A_34, %get3A_35] : memref<1x128xf32, #tpu.memory_space<vmem>>, vector<1x128xf32>
    %div3A = vector.broadcast %get3A_36 : vector<1x128xf32> to vector<1000x128xf32>
    %div3A_37 = arith.divf %sub3A_33, %div3A : vector<1000x128xf32>
    %get3A_38 = arith.constant 0 : index
    %get3A_39 = arith.constant 0 : index
    %get3A_40 = vector.load %arg11[%get3A_38, %get3A_39] : memref<1x128xf32, #tpu.memory_space<vmem>>, vector<1x128xf32>
    %mul3A = vector.broadcast %get3A_40 : vector<1x128xf32> to vector<1000x128xf32>
    %mul3A_41 = arith.mulf %div3A_37, %mul3A : vector<1000x128xf32>
    %get3A_42 = arith.constant 0 : index
    %get3A_43 = arith.constant 0 : index
    %get3A_44 = vector.load %arg12[%get3A_42, %get3A_43] : memref<1x128xf32, #tpu.memory_space<vmem>>, vector<1x128xf32>
    %add3A_45 = vector.broadcast %get3A_44 : vector<1x128xf32> to vector<1000x128xf32>
    %add3A_46 = arith.addf %mul3A_41, %add3A_45 : vector<1000x128xf32>
    %max3A_47 = arith.constant 0.000000e+00 : f32
    %max3A_48 = vector.broadcast %max3A_47 : f32 to vector<1000x128xf32>
    %max3A_49 = arith.maximumf %add3A_46, %max3A_48 : vector<1000x128xf32>
    %swap3A = arith.constant 0 : index
    %swap3A_50 = arith.constant 0 : index
    %swap3A_51 = vector.load %arg13[%swap3A, %swap3A_50] : memref<1000x128xf32, #tpu.memory_space<vmem>>, vector<1000x128xf32>
    tpu.vector_store %arg13[%swap3A, %swap3A_50], %max3A_49 {strides = array<i32>} : memref<1000x128xf32, #tpu.memory_space<vmem>>, vector<1000x128xf32>,
    %get3A_52 = arith.constant 0 : index
    %get3A_53 = arith.constant 0 : index
    %get3A_54 = arith.constant 0 : index
    %get3A_55 = vector.load %arg1[%get3A_52, %get3A_53, %get3A_54] : memref<1x1x1000xi32, #tpu.memory_space<vmem>>, vector<1x1x1000xi32>
    %get3A_56 = vector.shape_cast %get3A_55 : vector<1x1x1000xi32> to vector<1000xi32>
    %iota3A = tpu.iota {dimensions = array<i32: 0>} : vector<64x1000xi32>
    %broadcast_in_dim3A = vector.shape_cast %get3A_56 : vector<1000xi32> to vector<1x1000xi32>
    %eq3A = vector.broadcast %broadcast_in_dim3A : vector<1x1000xi32> to vector<64x1000xi32>
    %eq3A_57 = arith.cmpi eq, %iota3A, %eq3A : vector<64x1000xi32>
    %convert_element_type3A = arith.extui %eq3A_57 : vector<64x1000xi1> to vector<64x1000xi32>
    %convert_element_type3A_58 = arith.sitofp %convert_element_type3A : vector<64x1000xi32> to vector<64x1000xf32>
    %dot_general3A_59 = arith.constant dense<0.000000e+00> : vector<64x128xf32>
    %dot_general3A_60 = tpu.matmul %convert_element_type3A_58, %max3A_49, %dot_general3A_59 {dimension_numbers = #tpu.dot_dimension_numbers<[1], [0], [0], [1], [0, 0, 1, 1], [], []>, precision = #tpu.contract_precision<fp32>, transpose_lhs_hint = false} : vector<64x1000xf32>, vector<1000x128xf32>, vector<64x128xf32> -> vector<64x128xf32>
    %eq3A_61 = arith.constant 0 : i32
    %eq3A_62 = arith.cmpi eq, %arg0, %eq3A_61 : i32
    %convert_element_type3A_63 = arith.extui %eq3A_62 : i1 to i32
    %cond3A = arith.constant 0 : i32
    %cond3A_64 = arith.cmpi ne, %convert_element_type3A_63, %cond3A : i32
    scf.if %cond3A_64 {
      %swap3A_69 = arith.constant 0 : index
      %swap3A_70 = arith.constant 0 : index
      %swap3A_71 = vector.load %arg14[%swap3A_69, %swap3A_70] : memref<64x128xf32, #tpu.memory_space<vmem>>, vector<64x128xf32>
      tpu.vector_store %arg14[%swap3A_69, %swap3A_70], %dot_general3A_60 {strides = array<i32>} : memref<64x128xf32, #tpu.memory_space<vmem>>, vector<64x128xf32>,
    } else {
    }
    %ne3A = arith.constant 0 : i32
    %ne3A_65 = arith.cmpi ne, %arg0, %ne3A : i32
    %convert_element_type3A_66 = arith.extui %ne3A_65 : i1 to i32
    %cond3A_67 = arith.constant 0 : i32
    %cond3A_68 = arith.cmpi ne, %convert_element_type3A_66, %cond3A_67 : i32
    scf.if %cond3A_68 {
      %get3A_69 = arith.constant 0 : index
      %get3A_70 = arith.constant 0 : index
      %get3A_71 = vector.load %arg14[%get3A_69, %get3A_70] : memref<64x128xf32, #tpu.memory_space<vmem>>, vector<64x128xf32>
      %add3A_72 = arith.addf %get3A_71, %dot_general3A_60 : vector<64x128xf32>
      %swap3A_73 = arith.constant 0 : index
      %swap3A_74 = arith.constant 0 : index
      %swap3A_75 = vector.load %arg14[%swap3A_73, %swap3A_74] : memref<64x128xf32, #tpu.memory_space<vmem>>, vector<64x128xf32>
      tpu.vector_store %arg14[%swap3A_73, %swap3A_74], %add3A_72 {strides = array<i32>} : memref<64x128xf32, #tpu.memory_space<vmem>>, vector<64x128xf32>,
    } else {
    }
    return
  }
  func.func @transform_0(%arg0: i32) -> (i32, i32, i32) {
    %c0_i32 = arith.constant 0 : i32
    %c0_i32_0 = arith.constant 0 : i32
    %c0_i32_1 = arith.constant 0 : i32
    return %arg0, %c0_i32, %c0_i32_0 : i32, i32, i32
  }
  func.func @transform_1(%arg0: i32) -> (i32, i32) {
    %c0_i32 = arith.constant 0 : i32
    %c0_i32_0 = arith.constant 0 : i32
    return %arg0, %c0_i32 : i32, i32
  }
  func.func @transform_2(%arg0: i32) -> (i32, i32) {
    %c0_i32 = arith.constant 0 : i32
    %c0_i32_0 = arith.constant 0 : i32
    return %arg0, %c0_i32 : i32, i32
  }
  func.func @transform_3(%arg0: i32) -> (i32, i32) {
    %c0_i32 = arith.constant 0 : i32
    %c0_i32_0 = arith.constant 0 : i32
    return %arg0, %c0_i32 : i32, i32
  }
  func.func @transform_4(%arg0: i32) -> (i32, i32) {
    %c0_i32 = arith.constant 0 : i32
    %c0_i32_0 = arith.constant 0 : i32
    %c0_i32_1 = arith.constant 0 : i32
    return %c0_i32, %c0_i32_0 : i32, i32
  }
  func.func @transform_5(%arg0: i32) -> (i32, i32) {
    %c0_i32 = arith.constant 0 : i32
    %c0_i32_0 = arith.constant 0 : i32
    %c0_i32_1 = arith.constant 0 : i32
    return %c0_i32, %c0_i32_0 : i32, i32
  }
  func.func @transform_6(%arg0: i32) -> (i32, i32) {
    %c0_i32 = arith.constant 0 : i32
    %c0_i32_0 = arith.constant 0 : i32
    %c0_i32_1 = arith.constant 0 : i32
    return %c0_i32, %c0_i32_0 : i32, i32
  }
  func.func @transform_7(%arg0: i32) -> (i32, i32) {
    %c0_i32 = arith.constant 0 : i32
    %c0_i32_0 = arith.constant 0 : i32
    %c0_i32_1 = arith.constant 0 : i32
    return %c0_i32, %c0_i32_0 : i32, i32
  }
  func.func @transform_8(%arg0: i32) -> (i32, i32) {
    %c0_i32 = arith.constant 0 : i32
    %c0_i32_0 = arith.constant 0 : i32
    %c0_i32_1 = arith.constant 0 : i32
    return %c0_i32, %c0_i32_0 : i32, i32
  }
  func.func @transform_9(%arg0: i32) -> (i32, i32) {
    %c0_i32 = arith.constant 0 : i32
    %c0_i32_0 = arith.constant 0 : i32
    %c0_i32_1 = arith.constant 0 : i32
    return %c0_i32, %c0_i32_0 : i32, i32
  }
  func.func @transform_10(%arg0: i32) -> (i32, i32) {
    %c0_i32 = arith.constant 0 : i32
    %c0_i32_0 = arith.constant 0 : i32
    %c0_i32_1 = arith.constant 0 : i32
    return %c0_i32, %c0_i32_0 : i32, i32
  }
  func.func @transform_11(%arg0: i32) -> (i32, i32) {
    %c0_i32 = arith.constant 0 : i32
    %c0_i32_0 = arith.constant 0 : i32
    %c0_i32_1 = arith.constant 0 : i32
    return %c0_i32, %c0_i32_0 : i32, i32
  }
  func.func @transform_12(%arg0: i32) -> (i32, i32) {
    %c0_i32 = arith.constant 0 : i32
    %c0_i32_0 = arith.constant 0 : i32
    return %arg0, %c0_i32 : i32, i32
  }
  func.func @transform_13(%arg0: i32) -> (i32, i32) {
    %c0_i32 = arith.constant 0 : i32
    %c0_i32_0 = arith.constant 0 : i32
    %c0_i32_1 = arith.constant 0 : i32
    return %c0_i32, %c0_i32_0 : i32, i32
  }
}

module attributes {stable_mosaic.version = 14 : i64} {
  func.func @_tc_head_body(%arg0: memref<64x128xf32, #tpu.memory_space<vmem>>, %arg1: memref<64x128xf32, #tpu.memory_space<vmem>>, %arg2: memref<64x128xf32, #tpu.memory_space<vmem>>, %arg3: memref<384x128xf32, #tpu.memory_space<vmem>>, %arg4: memref<1x128xf32, #tpu.memory_space<vmem>>, %arg5: memref<128x128xf32, #tpu.memory_space<vmem>>, %arg6: memref<1x128xf32, #tpu.memory_space<vmem>>, %arg7: memref<64x128xf32, #tpu.memory_space<vmem>>) attributes {dimension_semantics = [], scalar_prefetch = 0 : i64, scratch_operands = 0 : i64, tpu.core_type = #tpu.core_type<tc>} {
    %get3A = arith.constant 0 : index
    %get3A_0 = arith.constant 0 : index
    %get3A_1 = vector.load %arg0[%get3A, %get3A_0] : memref<64x128xf32, #tpu.memory_space<vmem>>, vector<64x128xf32>
    %get3A_2 = arith.constant 0 : index
    %get3A_3 = arith.constant 0 : index
    %get3A_4 = vector.load %arg3[%get3A_2, %get3A_3] : memref<384x128xf32, #tpu.memory_space<vmem>>, vector<128x128xf32>
    %dot_general3A = arith.constant dense<0.000000e+00> : vector<64x128xf32>
    %dot_general3A_5 = tpu.matmul %get3A_1, %get3A_4, %dot_general3A {dimension_numbers = #tpu.dot_dimension_numbers<[1], [0], [0], [1], [0, 0, 1, 1], [], []>, transpose_lhs_hint = false} : vector<64x128xf32>, vector<128x128xf32>, vector<64x128xf32> -> vector<64x128xf32>
    %get3A_6 = arith.constant 0 : index
    %get3A_7 = arith.constant 0 : index
    %get3A_8 = vector.load %arg1[%get3A_6, %get3A_7] : memref<64x128xf32, #tpu.memory_space<vmem>>, vector<64x128xf32>
    %get3A_9 = arith.constant 128 : index
    %get3A_10 = arith.constant 0 : index
    %get3A_11 = vector.load %arg3[%get3A_9, %get3A_10] : memref<384x128xf32, #tpu.memory_space<vmem>>, vector<128x128xf32>
    %dot_general3A_12 = arith.constant dense<0.000000e+00> : vector<64x128xf32>
    %dot_general3A_13 = tpu.matmul %get3A_8, %get3A_11, %dot_general3A_12 {dimension_numbers = #tpu.dot_dimension_numbers<[1], [0], [0], [1], [0, 0, 1, 1], [], []>, transpose_lhs_hint = false} : vector<64x128xf32>, vector<128x128xf32>, vector<64x128xf32> -> vector<64x128xf32>
    %add3A = arith.addf %dot_general3A_5, %dot_general3A_13 : vector<64x128xf32>
    %get3A_14 = arith.constant 0 : index
    %get3A_15 = arith.constant 0 : index
    %get3A_16 = vector.load %arg2[%get3A_14, %get3A_15] : memref<64x128xf32, #tpu.memory_space<vmem>>, vector<64x128xf32>
    %get3A_17 = arith.constant 256 : index
    %get3A_18 = arith.constant 0 : index
    %get3A_19 = vector.load %arg3[%get3A_17, %get3A_18] : memref<384x128xf32, #tpu.memory_space<vmem>>, vector<128x128xf32>
    %dot_general3A_20 = arith.constant dense<0.000000e+00> : vector<64x128xf32>
    %dot_general3A_21 = tpu.matmul %get3A_16, %get3A_19, %dot_general3A_20 {dimension_numbers = #tpu.dot_dimension_numbers<[1], [0], [0], [1], [0, 0, 1, 1], [], []>, transpose_lhs_hint = false} : vector<64x128xf32>, vector<128x128xf32>, vector<64x128xf32> -> vector<64x128xf32>
    %add3A_22 = arith.addf %add3A, %dot_general3A_21 : vector<64x128xf32>
    %get3A_23 = arith.constant 0 : index
    %get3A_24 = arith.constant 0 : index
    %get3A_25 = vector.load %arg4[%get3A_23, %get3A_24] : memref<1x128xf32, #tpu.memory_space<vmem>>, vector<1x128xf32>
    %add3A_26 = vector.broadcast %get3A_25 : vector<1x128xf32> to vector<64x128xf32>
    %add3A_27 = arith.addf %add3A_22, %add3A_26 : vector<64x128xf32>
    %max3A = arith.constant 0.000000e+00 : f32
    %max3A_28 = vector.broadcast %max3A : f32 to vector<64x128xf32>
    %max3A_29 = arith.maximumf %add3A_27, %max3A_28 : vector<64x128xf32>
    %get3A_30 = arith.constant 0 : index
    %get3A_31 = arith.constant 0 : index
    %get3A_32 = vector.load %arg5[%get3A_30, %get3A_31] : memref<128x128xf32, #tpu.memory_space<vmem>>, vector<128x128xf32>
    %dot_general3A_33 = arith.constant dense<0.000000e+00> : vector<64x128xf32>
    %dot_general3A_34 = tpu.matmul %max3A_29, %get3A_32, %dot_general3A_33 {dimension_numbers = #tpu.dot_dimension_numbers<[1], [0], [0], [1], [0, 0, 1, 1], [], []>, transpose_lhs_hint = false} : vector<64x128xf32>, vector<128x128xf32>, vector<64x128xf32> -> vector<64x128xf32>
    %get3A_35 = arith.constant 0 : index
    %get3A_36 = arith.constant 0 : index
    %get3A_37 = vector.load %arg6[%get3A_35, %get3A_36] : memref<1x128xf32, #tpu.memory_space<vmem>>, vector<1x128xf32>
    %add3A_38 = vector.broadcast %get3A_37 : vector<1x128xf32> to vector<64x128xf32>
    %add3A_39 = arith.addf %dot_general3A_34, %add3A_38 : vector<64x128xf32>
    %swap3A = arith.constant 0 : index
    %swap3A_40 = arith.constant 0 : index
    %swap3A_41 = vector.load %arg7[%swap3A, %swap3A_40] : memref<64x128xf32, #tpu.memory_space<vmem>>, vector<64x128xf32>
    tpu.vector_store %arg7[%swap3A, %swap3A_40], %add3A_39 {strides = array<i32>} : memref<64x128xf32, #tpu.memory_space<vmem>>, vector<64x128xf32>,
    return
  }
}

</mosaic_0001>

<sc_bundles>
// kernel: kernel.12.cloned.1.call-start
scs
__scs_entry_jumppad:
0x0: {  	(pc) =	sbr.rel $0x88, $3  }
0x1: {  	(tag) =	ssettag $0x0;
	lr =	simm.s32 $0x1  }
0x2: {  	[smem:$0x3F82] =	sst lr;
	_ =	strace $0xD0000000  }
0x3: {  	_ = 	snop  }
0x4: {  	_ = 	snop  }
0x5: {  	_ = 	snop  }
0x6: {  	_ = 	snop  }
0x7: {  	_ = 	snop  }
__scs_overlays_trampoline_lowered:
0x8: {  	[smem:$0x3F91] =	sst s0  }
0x9: {  	[smem:$0x3F92] =	sst s1  }
0xa: {  	[smem:$0x3F93] =	sst s2  }
0xb: {  	[smem:$0x3F94] =	sst s3  }
0xc: {  	[smem:$0x3F95] =	sst s4  }
0xd: {  	[smem:$0x3F96] =	sst s5  }
0xe: {  	[smem:$0x3F97] =	sst s6  }
0xf: {  	[smem:$0x3F98] =	sst s7  }
0x10: {  	[smem:$0x3F99] =	sst s8  }
0x11: {  	[smem:$0x3F9A] =	sst s9;
	s0 =	simm.s32 @!p0 $0x0  }
0x12: {  	s1 =	sld [smem:$0x3F80];
	s0 =	simm.s32 @p0 $0x1  }
0x13: {  	[smem:$0x3F9B] =	sst s0;
	s0 =	simm.s32 @!p1 $0x0  }
0x14: {  	s2 =	sld [smem:$0x3F7F];
	s0 =	simm.s32 @p1 $0x1  }
0x15: {  	[smem:$0x3F9C] =	sst s0;
	s0 =	simm.s32 @!p2 $0x0  }
0x16: {  	s3 =	sld [smem:$0x3FDB];
	s0 =	simm.s32 @p2 $0x1  }
0x17: {  	s4 =	simm.s32 $0x1BF5;
	[smem:$0x3F9E] =	sst s0  }
0x18: {  	s0 =	sld [smem:$0x3F81];
	_ =	swait.ge [sflag:s4], $0x0  }
0x19: {  	s7 =	sld [smem:$0x3F82]  }
0x1a: {  	s8 =	sadd.s32 $0xFFFFE003, lr  }
0x1b: {  	s9 =	sadd.s32 $0xFFFFFEF7, lr;
	s5 =	simm.s32 $0xFFFFFFFF;
	p2 =	slt.u32 s8, $0xFFFFF086  }
0x1c: {  	p1 =	slt.u32 s9, $0xF7A;
	s5 =	simm.s32 @!p2 $0x0  }
0x1d: {  	s5 =	simm.s32 @p1 $0x1;
	p0 =	seq.s32 s7, s2  }
0x1e: {  	s7 =	smul.u32 @!p0 $0xF7A, s2;
	p2 =	seq.s32 @!p0 s5, $0x0  }
0x1f: {  	s9 =	smul.u32 $0xF7A, s1;
	s8 =	simm.s32 @!p0 $0x1BF5;
	p2 =	por !p2, p0  }
0x20: {  	[sflag:s8] =	ssyncset.s32 @!p0 $0xFFFFF086;
	s6 =	sadd.s32 @!p0 s3, s7;
	s7 =	simm.s32 @!p0 $0x108  }
0x21: {  	s3 =	sadd.s32 s3, s9;
	s6 =	sadd.s32 @!p0 $0x88, s6;
	s7 =	simm.s32 @p2 $0x1082  }
0x22: {  	[simem:s7], [sflag:s8] =	dma.local @!p0 [hbm:s6], $0xF7A  }
0x23: {  	s9 =	sor.u32 $0xD0000000, s2;
	s6 =	simm.s32 $0x108;
	_ =	swait.ge @!p0 [sflag:s8], $0x0  }
0x24: {  	s3 =	sadd.s32 $0x88, s3;
	s6 =	simm.s32 @!p1 $0x1082;
	[sflag:s4] =	ssyncset.s32 $0xFFFFF086  }
0x25: {  	[simem:s6], [sflag:s4] =	dma.local [hbm:s3], $0xF7A  }
0x26: {  	[smem:$0x3F82] =	sst s1;
	(tag) =	ssettag s2;
	_ =	strace s9  }
0x27: {  	s1 =	sld [smem:$0x3F92]  }
0x28: {  	s2 =	sld [smem:$0x3F93]  }
0x29: {  	s4 =	sld [smem:$0x3F95]  }
0x2a: {  	p0 =	seq.s32 s5, $0x0;
	s5 =	sld [smem:$0x3F96]  }
0x2b: {  	s6 =	sld [smem:$0x3F97]  }
0x2c: {  	s7 =	sld [smem:$0x3F98]  }
0x2d: {  	s3 =	simm.s32 $0x108;
	s8 =	sld [smem:$0x3F99]  }
0x2e: {  	s3 =	simm.s32 @!p0 $0x1082;
	s9 =	sld [smem:$0x3F9A]  }
0x2f: {  	lr =	sadd.s32 s0, s3;
	s0 =	sld [smem:$0x3F91]  }
0x30: {  	s3 =	sld [smem:$0x3F94]  }
0x31: {  	[smem:$0x3F9D] =	sst s10  }
0x32: {  	s10 =	sld [smem:$0x3F9B];
	_ =	sdelay $0x3  }
0x33: {  	p0 =	seq.s32 s10, $0x1;
	s10 =	sld [smem:$0x3F9D];
	_ =	sdelay $0x3  }
0x34: {  	[smem:$0x3F9D] =	sst s10  }
0x35: {  	s10 =	sld [smem:$0x3F9C];
	_ =	sdelay $0x3  }
0x36: {  	p1 =	seq.s32 s10, $0x1;
	s10 =	sld [smem:$0x3F9D];
	_ =	sdelay $0x3  }
0x37: {  	[smem:$0x3F9D] =	sst s10  }
0x38: {  	s10 =	sld [smem:$0x3F9E]  }
0x39: {  	_ = 	snop;
	(pc) =	sbr.ind lr, $3  }
0x3a: {  	_ = 	snop  }
0x3b: {  	_ = 	snop  }
0x3c: {  	p2 =	seq.s32 s10, $0x1;
	s10 =	sld [smem:$0x3F9D]  }
0x3d: {  	_ =	shalt  }
0x3e: {  	_ =	shalt  }
0x3f: {  	_ =	shalt  }
0x40: {  	_ =	shalt  }
0x41: {  	_ =	shalt  }
0x42: {  	_ =	shalt  }
0x43: {  	_ =	shalt  }
0x44: {  	_ =	shalt  }
0x45: {  	_ =	shalt  }
0x46: {  	_ =	shalt  }
0x47: {  	_ =	shalt  }
0x48: {  	_ =	shalt  }
0x49: {  	_ =	shalt  }
0x4a: {  	_ =	shalt  }
0x4b: {  	_ =	shalt  }
0x4c: {  	_ =	shalt  }
0x4d: {  	_ =	shalt  }
0x4e: {  	_ =	shalt  }
0x4f: {  	_ =	shalt  }
0x50: {  	_ =	shalt  }
0x51: {  	_ =	shalt  }
0x52: {  	_ =	shalt  }
0x53: {  	_ =	shalt  }
0x54: {  	_ =	shalt  }
0x55: {  	_ =	shalt  }
0x56: {  	_ =	shalt  }
0x57: {  	_ =	shalt  }
0x58: {  	_ =	shalt  }
0x59: {  	_ =	shalt  }
0x5a: {  	_ =	shalt  }
0x5b: {  	_ =	shalt  }
0x5c: {  	_ =	shalt  }
0x5d: {  	_ =	shalt  }
0x5e: {  	_ =	shalt  }
0x5f: {  	_ =	shalt  }
0x60: {  	_ =	shalt  }
0x61: {  	_ =	shalt  }
0x62: {  	_ =	shalt  }
0x63: {  	_ =	shalt  }
0x64: {  	_ =	shalt  }
0x65: {  	_ =	shalt  }
0x66: {  	_ =	shalt  }
0x67: {  	_ =	shalt  }
0x68: {  	_ =	shalt  }
0x69: {  	_ =	shalt  }
0x6a: {  	_ =	shalt  }
0x6b: {  	_ =	shalt  }
0x6c: {  	_ =	shalt  }
0x6d: {  	_ =	shalt  }
0x6e: {  	_ =	shalt  }
0x6f: {  	_ =	shalt  }
0x70: {  	_ =	shalt  }
0x71: {  	_ =	shalt  }
0x72: {  	_ =	shalt  }
0x73: {  	_ =	shalt  }
0x74: {  	_ =	shalt  }
0x75: {  	_ =	shalt  }
0x76: {  	_ =	shalt  }
0x77: {  	_ =	shalt  }
0x78: {  	_ =	shalt  }
0x79: {  	_ =	shalt  }
0x7a: {  	_ =	shalt  }
0x7b: {  	_ =	shalt  }
0x7c: {  	_ =	shalt  }
0x7d: {  	_ =	shalt  }
0x7e: {  	_ =	shalt  }
0x7f: {  	_ =	shalt  }
0x80: {  	_ =	shalt  }
0x81: {  	_ =	shalt  }
0x82: {  	_ =	shalt  }
0x83: {  	_ =	shalt  }
0x84: {  	_ =	shalt  }
0x85: {  	_ =	shalt  }
0x86: {  	_ =	shalt  }
0x87: {  	_ =	shalt  }
.Lfunc_end0:
.L_simem_size_0:
called_computation.1_lowered:
.L_overlay_start_0:
0x88: {  	s2 =	sld [smem:$0x3FD9]  }
0x89: {  	s3 =	sld [smem:$0x3FFE];
	_ =	sdelay $0x1  }
0x8a: {  	s1 =	srdreg.scid  }
0x8b: {  	s0 =	sand.u32 $0x1, s1  }
0x8c: {  	s16 =	sshll.u32 s0, $0xA;
	s2 =	sadd.s32 s3, s2  }
0x8d: {  	s2 =	sadd.s32 s2, s16  }
0x8e: {  	[smem:$0x3FA9] =	sst s2  }
0x8f: {  	_ = 	snop  }
0x90: {  	(tm) =	ssettm $0x1  }
0x91: {  	s17 =	sld [smem:$0x3FFB];
	_ =	sdelay $0x3  }
0x92: {  	_ =	strace s17  }
0x93: {  	s2 =	sld [smem:$0x3FFC];
	_ =	sdelay $0x3  }
0x94: {  	_ =	strace s2  }
0x95: {  	s2 =	sld [smem:$0x3FFD];
	_ =	sdelay $0x3  }
0x96: {  	_ =	strace s2  }
0x97: {  	_ =	strace $0x8FFFFFFF  }
0x98: {  	s18 =	sld [smem:$0x3FDB];
	_ =	sdelay $0x1  }
0x99: {  	s19 =	simm.s32 $_scs_section_size  }
0x9a: {  	s4 =	simm.s32 $_size__tile_overlayer_lowered;
	s5 =	simm.s32 $_tile_overlayer_lowered  }
0x9b: {  	s22 =	simm.s32 $0x1BFF;
	s21 =	sshll.u32 s5, $0x1;
	s2 =	sadd.s32 s19, s18  }
0x9c: {  	s6 =	simm.s32 $0x0;
	s20 =	sshll.u32 s4, $0x1;
	s4 =	sadd.s32 s21, s2  }
0x9d: {  	[timem:s6], [sflag:s22] =	dma.local [hbm:s4], s20  }
0x9e: {  	_ =	swait.ge [sflag:s22], s20  }
0x9f: {  	s3 =	ssub.s32 $0x0, s20;
	[sflag:s22] =	ssyncset.done $0x0  }
0xa0: {  	[sflag:s22] =	ssyncadd.s32 s3;
	_ =	sdelay $0x1  }
0xa1: {  	s23 =	simm.s32 $0x1B8B  }
0xa2: {  	_ =	swait.ge [sflag:s23], $0x1  }
0xa3: {  	[sflag:s23] =	ssyncset.done $0x0  }
0xa4: {  	s25 =	simm.s32 $0x1B8E;
	s24 =	sld [smem:$0x3FFE];
	[sflag:s23] =	ssyncadd.s32 $0xFFFFFFFF  }
0xa5: {  	s26 =	simm.s32 $execute0_lowered;
	[smem:$0x3FD2] =	sst s25  }
0xa6: {  	s4 =	sshll.u32 s26, $0x1;
	_ =	strace $0x80000049;
	[dreg:$0x1] =	wrdreg $0xFFFFFFFF  }
0xa7: {  	s28 =	simm.s32 $_size_execute0_lowered;
	s2 =	sadd.s32 s2, s4;
	[dreg:$0x0] =	wrdreg $0x0  }
0xa8: {  	s4 =	sshll.u32 s28, $0x1;
	[dreg:$0x2] =	wrdreg s2  }
0xa9: {  	[dreg:$0x3] =	wrdreg s4  }
0xaa: {  	[dreg:$0x4] =	wrdreg $0xC0  }
0xab: {  	_ =	task [dreg:s6], $0x5FFFF  }
0xac: {  	[dreg:$0x1] =	wrdreg $0xFFFFFFFF  }
0xad: {  	[dreg:$0x0] =	wrdreg $0x60  }
0xae: {  	[dreg:$0x2] =	wrdreg s24  }
0xaf: {  	[dreg:$0x3] =	wrdreg $0x29000  }
0xb0: {  	[dreg:$0x4] =	wrdreg $0x9  }
0xb1: {  	_ =	task.clear_ibuf [dreg:s6], $0x5FFFF;
	_ =	strace $0x90000049  }
0xb2: {  	s29 =	simm.s32 $0x9;
	_ =	strace $0x8000004B  }
0xb3: {  	_ =	swait.ge [sflag:s29], $0x1  }
0xb4: {  	[sflag:s29] =	ssyncadd.s32 $0xFFFFFFFF  }
0xb5: {  	_ =	strace $0x9000004B  }
0xb6: {  	_ =	sfence  }
0xb7: {  	s30 =	sld [smem:$0x0];
	_ =	sdelay $0x2  }
0xb8: {  	s31 =	sshll.u32 s1, $0xD;
	s1 =	sshrl.u32 s1, $0x2  }
0xb9: {  	s3 =	sand.u32 $0x4000, s31;
	s1 =	sadd.s32 s1, s30  }
0xba: {  	s0 =	sor.u32 s3, s0;
	s1 =	sshll.u32 s1, $0x11  }
0xbb: {  	s0 =	sor.u32 s1, s0  }
0xbc: {  	s0 =	sadd.s32 $0x8F2B, s0  }
0xbd: {  	[sflag:s0] =	ssyncadd.remote.s32 $0x1  }
0xbe: {  	_ =	sfence.sel $0xFFFF  }
0xbf: {  	[dreg:$0x0] =	wrdreg $0xFFFFFFFF;
	(pc) =	sbr.abs _section_cstart, $3  }
0xc0: {  	[dreg:$0x1] =	wrdreg $0xFFFFFFFF  }
0xc1: {  	_ =	task.clear_ibuf [dreg:s6], $0x2FFFF;
	_ =	strace $0x9FFFFFFF  }
0xc2: {  	(tm) =	ssettm $0x7FFFFFFF  }
0xc3: {  	_ =	shalt  }
tec
execute0_lowered:
.L_overlay_start_1:
0x0: {  	(tag) =	ssettag $0x1  }
0x1: {  	s1 =	srdreg.scid;
	s7 =	rddreg [dreg:$0x0]  }
0x2: {  	s0 =	stileid.u32;
	s2 =	rddreg [dreg:$0x1]  }
0x3: {  	s3 =	simm.s32 $0x0;
	s16 =	simm.s32 $0x80;
	s17 =	simm.s32 $0x50  }
0x4: {  	s18 =	simm.s32 $0x100;
	s19 =	simm.s32 $0x1;
	s4 =	smul.u32 $0x4E20, s0  }
0x5: {  	s5 =	sand.u32 $0x1, s1;
	s1 =	rddreg [dreg:$0x2];
	s8 =	smul.u32 $0x13800, s0  }
0x6: {  	s20 =	simm.s32 $0x0;
	[smem:$0x7FF] =	sst s3;
	s10 =	smul.u32 $0x4E000, s0  }
0x7: {  	s11 =	sadd.s32 $0x68000, s7;
	s30 =	sshll.u32 s0, $0x6;
	s15 =	sadd.s32 $0x138000, s2  }
0x8: {  	p0 =	sne.s32 s0, $0xF;
	s6 =	smul.u32 $0x2710, s5;
	_ =	strace $0x8000004A  }
0x9: {  	s9 =	ssub.s32 $0x2, s5;
	s29 =	smul.u32 $0x138800, s5;
	s15 =	sshrl.u32 @!p0 s15, $0x3  }
0xa: {  	s26 =	sshrl.u32 s8, $0x3;
	s13 =	sshrl.u32 s9, $0x1;
	s28 =	sshrl.u32 s10, $0x2  }
0xb: {  	s4 =	sadd.s32 s6, s4;
	s13 =	ssub.s32 s9, s13;
	s14 =	sadd.s32 s28, s2  }
0xc: {  	s8 =	sadd.s32 s8, s29;
	s31 =	sshrl.u32 s29, $0x3;
	s6 =	sshrl.u32 s4, $0x3  }
0xd: {  	s4 =	sadd.s32 $0x40E00, s7;
	s8 =	sshrl.u32 s8, $0x3;
	s9 =	sadd.s32 s11, s31  }
0xe: {  	s10 =	smax.u32 s13, $0x1;
	s13 =	sshrl.u32 s14, $0x3;
	s14 =	simm.s32 $0x2  }
0xf: {  	s12 =	sadd.s32 s6, s7;
	s6 =	sadd.s32 s26, s7;
	s7 =	sadd.s32 $0x40C00, s7  }
0x10: {  	s8 =	sadd.s32 s11, s8;
	s9 =	sadd.s32 $0x27000, s9;
	s5 =	sadd.s32 $0x19C00, s6  }
0x11: {  	s6 =	sor.u32 $0x1C02, s30;
	s11 =	sadd.s32 $0x6000, s12;
	s12 =	sadd.s32 $0xFE00, s12  }
.LBB2_1:
0x12: {  	[spmem:s13], [sflag:s6] =	dma.local [hbm:s5], $0x2700  }
0x13: {  	_ =	swait.ge [sflag:s14], $0x2700  }
0x14: {  	[sflag:s14] =	ssyncset.done $0x0  }
0x15: {  	s21 =	simm.s32 @!p0 $0x2;
	[sflag:s14] =	ssyncadd.s32 $0xFFFFD900  }
0x16: {  	[spmem:s15], [sflag:s6] =	dma.local @!p0 [hbm:s7], $0x100  }
0x17: {  	_ =	swait.ge @!p0 [sflag:s21], $0x100  }
0x18: {  	[sflag:s21] =	ssyncset.done @!p0 $0x0  }
0x19: {  	[sflag:s21] =	ssyncadd.s32 @!p0 $0xFFFFFF00  }
0x1a: {  	s30 =	sadd.s32 $0x0, s12;
	[bflag:$0x0] =	sbarrier.arrive $0xFFFF  }
0x1b: {  	[tilespmem:s3], [sflag:$0x2] =	stream.linear.gather [hbm4b:s30+s3], $0x50, $0x38;
	[tilespmem:$0x16180] =	vst v63  }
0x1c: {  	_ =	swait.ge [sflag:s14], $0x50  }
0x1d: {  	[sflag:s14] =	ssyncset.done $0x0  }
0x1e: {  	s31 =	sadd.s32 $0x0, s11;
	[sflag:s14] =	ssyncadd.s32 $0xFFFFFFB0  }
0x1f: {  	[tilespmem:s16], [sflag:$0x2] =	stream.linear.gather [hbm4b:s31+s3], $0x50, $0x38;
	[tilespmem:$0x16180] =	vst v63  }
0x20: {  	_ =	swait.ge [sflag:s14], $0x50  }
0x21: {  	[sflag:s14] =	ssyncset.done $0x0  }
0x22: {  	[sflag:s14] =	ssyncadd.s32 $0xFFFFFFB0  }
0x23: {  	[tilespmem:s18], [sflag:$0x1] =	stream.indirect.gather [hbm4b:s4+s17], $0x80, s3, s17, $0xb8;
	[tilespmem:$0x16180] =	vst v63  }
0x24: {  	_ =	swait.ge [sflag:s19], $0x2800  }
0x25: {  	[sflag:s19] =	ssyncset.done $0x0  }
0x26: {  	[sflag:s19] =	ssyncadd.s32 $0xFFFFD800  }
0x27: {  	[spmem:s2] =	stream.indirect.scatter.add.f32 [tilespmem:s18], [sflag:$0x2], $0x80, s16, s17, $0xb8;
	[tilespmem:$0x16180] =	vst v63  }
0x28: {  	_ =	swait.ge [sflag:s14], $0x2800  }
0x29: {  	s22 =	simm.s32 $0x14;
	s21 =	simm.s32 $0xA;
	[sflag:s14] =	ssyncset.done $0x0  }
.LBB2_2:
0x2a: {  	s23 =	sadd.s32 s21, s12  }
0x2b: {  	[sflag:s14] =	ssyncadd.s32 $0xFFFFD800;
	s24 =	smov.u32 s22;
	s25 =	sadd.s32 $0xA, s22  }
0x2c: {  	[tilespmem:s3], [sflag:$0x2] =	stream.linear.gather [hbm4b:s23+s3], $0x50, $0x38;
	[tilespmem:$0x16180] =	vst v63  }
0x2d: {  	p1 =	sne.s32 s22, $0x4D8;
	_ =	swait.ge [sflag:s14], $0x50  }
0x2e: {  	[sflag:s14] =	ssyncset.done $0x0  }
0x2f: {  	s22 =	sadd.s32 s21, s11;
	s21 =	smov.u32 s24;
	[sflag:s14] =	ssyncadd.s32 $0xFFFFFFB0  }
0x30: {  	[tilespmem:s16], [sflag:$0x2] =	stream.linear.gather [hbm4b:s22+s3], $0x50, $0x38;
	[tilespmem:$0x16180] =	vst v63  }
0x31: {  	_ =	swait.ge [sflag:s14], $0x50  }
0x32: {  	[sflag:s14] =	ssyncset.done $0x0  }
0x33: {  	[sflag:s14] =	ssyncadd.s32 $0xFFFFFFB0  }
0x34: {  	[tilespmem:s18], [sflag:$0x1] =	stream.indirect.gather [hbm4b:s4+s17], $0x80, s3, s17, $0xb8;
	[tilespmem:$0x16180] =	vst v63  }
0x35: {  	_ =	swait.ge [sflag:s19], $0x2800  }
.Ltmp0:
0x36: {  	[sflag:s19] =	ssyncset.done $0x0;
	(pc) =	sbr.rel @p1 .LBB2_2-.Ltmp0, $4  }
0x37: {  	[sflag:s19] =	ssyncadd.s32 $0xFFFFD800  }
0x38: {  	[spmem:s2] =	stream.indirect.scatter.add.f32 [tilespmem:s18], [sflag:$0x2], $0x80, s16, s17, $0xb8;
	[tilespmem:$0x16180] =	vst v63  }
0x39: {  	_ =	swait.ge [sflag:s14], $0x2800  }
0x3a: {  	s22 =	smov.u32 s25;
	[sflag:s14] =	ssyncset.done $0x0  }
0x3b: {  	s22 =	sadd.s32 s21, s12;
	[sflag:s14] =	ssyncadd.s32 $0xFFFFD800  }
0x3c: {  	[tilespmem:s3], [sflag:$0x2] =	stream.linear.gather [hbm4b:s22+s3], $0x50, $0x38;
	[tilespmem:$0x16180] =	vst v63  }
0x3d: {  	_ =	swait.ge [sflag:s14], $0x50  }
0x3e: {  	[sflag:s14] =	ssyncset.done $0x0  }
0x3f: {  	s31 =	sadd.s32 s21, s11;
	[sflag:s14] =	ssyncadd.s32 $0xFFFFFFB0  }
0x40: {  	[tilespmem:s16], [sflag:$0x2] =	stream.linear.gather [hbm4b:s31+s3], $0x50, $0x38;
	[tilespmem:$0x16180] =	vst v63  }
0x41: {  	_ =	swait.ge [sflag:s14], $0x50  }
0x42: {  	[sflag:s14] =	ssyncset.done $0x0  }
0x43: {  	[sflag:s14] =	ssyncadd.s32 $0xFFFFFFB0  }
0x44: {  	[tilespmem:s18], [sflag:$0x1] =	stream.indirect.gather [hbm4b:s4+s17], $0x80, s3, s17, $0xb8;
	[tilespmem:$0x16180] =	vst v63  }
0x45: {  	_ =	swait.ge [sflag:s19], $0x2800  }
0x46: {  	[sflag:s19] =	ssyncset.done $0x0  }
0x47: {  	[sflag:s19] =	ssyncadd.s32 $0xFFFFD800  }
0x48: {  	[spmem:s2] =	stream.indirect.scatter.add.f32 [tilespmem:s18], [sflag:$0x2], $0x80, s16, s17, $0xb8;
	[tilespmem:$0x16180] =	vst v63  }
0x49: {  	_ =	swait.ge [sflag:s14], $0x2800  }
0x4a: {  	[sflag:s14] =	ssyncset.done $0x0  }
0x4b: {  	[sflag:s14] =	ssyncadd.s32 $0xFFFFD800  }
0x4c: {  	[bflag:$0x0] =	sbarrier.arrive $0xFFFF  }
0x4d: {  	[hbm:s8], [sflag:s6] =	dma.local [spmem:s13], $0x2700  }
0x4e: {  	s20 =	sadd.s32 $0x1, s20;
	_ =	swait.ge [sflag:s14], $0x2700  }
0x4f: {  	p1 =	sne.s32 s20, s10;
	[sflag:s14] =	ssyncset.done $0x0  }
.Ltmp1:
0x50: {  	s21 =	simm.s32 @!p0 $0x2;
	[sflag:s14] =	ssyncadd.s32 $0xFFFFD900;
	(pc) =	sbr.rel @p1 .LBB2_1-.Ltmp1, $4  }
0x51: {  	[hbm:s9], [sflag:s6] =	dma.local @!p0 [spmem:s15], $0x100  }
0x52: {  	_ =	swait.ge @!p0 [sflag:s21], $0x100  }
0x53: {  	[sflag:s21] =	ssyncset.done @!p0 $0x0  }
0x54: {  	[sflag:s21] =	ssyncadd.s32 @!p0 $0xFFFFFF00  }
0x55: {  	_ =	sfence.sel $0x180000  }
0x56: {  	[bflag:$0x0] =	sbarrier.arrive $0xFFFF  }
0x57: {  	p0 =	sne.s32 s0, $0x0;
	_ =	strace $0x9000004A  }
0x58: {  	s0 =	sadd.s32 @!p0 $0x100000, s1;
	[bflag:$0x2] =	sbarrier.arrive $0xFFFF  }
0x59: {  	[sflag:s0] =	ssyncadd.tile.s32 @!p0 $0x1;
	_ =	shalt  }
.Lfunc_end2:
_tile_overlayer_lowered:
.L_overlay_start_2:
0x5a: {  	(tag) =	ssettag $0x2  }
0x5b: {  	s0 =	rddreg [dreg:$0x0];
	s2 =	stileid.u32  }
0x5c: {  	s1 =	rddreg [dreg:$0x1];
	p0 =	sne.s32 s2, $0x0  }
0x5d: {  	s3 =	rddreg [dreg:$0x2];
	[bflag:$0x3] =	sbarrier.arrive $0xFFFF;
	s2 =	simm.s32 @!p0 $0x1C02  }
0x5e: {  	[timem:s3], [sflag:s2] =	dma.local @!p0 [hbm:s0], s1  }
0x5f: {  	s0 =	simm.s32 @!p0 $0x2  }
0x60: {  	_ =	swait.ge @!p0 [sflag:s0], s1  }
0x61: {  	s1 =	ssub.s32 @!p0 $0x0, s1;
	[sflag:s0] =	ssyncset.done @!p0 $0x0  }
0x62: {  	[sflag:s0] =	ssyncadd.s32 @!p0 s1  }
0x63: {  	[bflag:$0x3] =	sbarrier.arrive $0xFFFF  }
0x64: {  	_ =	shalt  }

// kernel: kernel.15.cloned.1.call-start
scs
__scs_entry_jumppad:
0x0: {  	(pc) =	sbr.rel $0x88, $3  }
0x1: {  	(tag) =	ssettag $0x0;
	lr =	simm.s32 $0x1  }
0x2: {  	[smem:$0x3F82] =	sst lr;
	_ =	strace $0xD0000000  }
0x3: {  	_ = 	snop  }
0x4: {  	_ = 	snop  }
0x5: {  	_ = 	snop  }
0x6: {  	_ = 	snop  }
0x7: {  	_ = 	snop  }
__scs_overlays_trampoline_lowered:
0x8: {  	[smem:$0x3F91] =	sst s0  }
0x9: {  	[smem:$0x3F92] =	sst s1  }
0xa: {  	[smem:$0x3F93] =	sst s2  }
0xb: {  	[smem:$0x3F94] =	sst s3  }
0xc: {  	[smem:$0x3F95] =	sst s4  }
0xd: {  	[smem:$0x3F96] =	sst s5  }
0xe: {  	[smem:$0x3F97] =	sst s6  }
0xf: {  	[smem:$0x3F98] =	sst s7  }
0x10: {  	[smem:$0x3F99] =	sst s8  }
0x11: {  	[smem:$0x3F9A] =	sst s9;
	s0 =	simm.s32 @!p0 $0x0  }
0x12: {  	s1 =	sld [smem:$0x3F80];
	s0 =	simm.s32 @p0 $0x1  }
0x13: {  	[smem:$0x3F9B] =	sst s0;
	s0 =	simm.s32 @!p1 $0x0  }
0x14: {  	s2 =	sld [smem:$0x3F7F];
	s0 =	simm.s32 @p1 $0x1  }
0x15: {  	[smem:$0x3F9C] =	sst s0;
	s0 =	simm.s32 @!p2 $0x0  }
0x16: {  	s3 =	sld [smem:$0x3FDB];
	s0 =	simm.s32 @p2 $0x1  }
0x17: {  	s4 =	simm.s32 $0x1BF5;
	[smem:$0x3F9E] =	sst s0  }
0x18: {  	s0 =	sld [smem:$0x3F81];
	_ =	swait.ge [sflag:s4], $0x0  }
0x19: {  	s7 =	sld [smem:$0x3F82]  }
0x1a: {  	s8 =	sadd.s32 $0xFFFFE003, lr  }
0x1b: {  	s9 =	sadd.s32 $0xFFFFFEF7, lr;
	s5 =	simm.s32 $0xFFFFFFFF;
	p2 =	slt.u32 s8, $0xFFFFF086  }
0x1c: {  	p1 =	slt.u32 s9, $0xF7A;
	s5 =	simm.s32 @!p2 $0x0  }
0x1d: {  	s5 =	simm.s32 @p1 $0x1;
	p0 =	seq.s32 s7, s2  }
0x1e: {  	s7 =	smul.u32 @!p0 $0xF7A, s2;
	p2 =	seq.s32 @!p0 s5, $0x0  }
0x1f: {  	s9 =	smul.u32 $0xF7A, s1;
	s8 =	simm.s32 @!p0 $0x1BF5;
	p2 =	por !p2, p0  }
0x20: {  	[sflag:s8] =	ssyncset.s32 @!p0 $0xFFFFF086;
	s6 =	sadd.s32 @!p0 s3, s7;
	s7 =	simm.s32 @!p0 $0x108  }
0x21: {  	s3 =	sadd.s32 s3, s9;
	s6 =	sadd.s32 @!p0 $0x88, s6;
	s7 =	simm.s32 @p2 $0x1082  }
0x22: {  	[simem:s7], [sflag:s8] =	dma.local @!p0 [hbm:s6], $0xF7A  }
0x23: {  	s9 =	sor.u32 $0xD0000000, s2;
	s6 =	simm.s32 $0x108;
	_ =	swait.ge @!p0 [sflag:s8], $0x0  }
0x24: {  	s3 =	sadd.s32 $0x88, s3;
	s6 =	simm.s32 @!p1 $0x1082;
	[sflag:s4] =	ssyncset.s32 $0xFFFFF086  }
0x25: {  	[simem:s6], [sflag:s4] =	dma.local [hbm:s3], $0xF7A  }
0x26: {  	[smem:$0x3F82] =	sst s1;
	(tag) =	ssettag s2;
	_ =	strace s9  }
0x27: {  	s1 =	sld [smem:$0x3F92]  }
0x28: {  	s2 =	sld [smem:$0x3F93]  }
0x29: {  	s4 =	sld [smem:$0x3F95]  }
0x2a: {  	p0 =	seq.s32 s5, $0x0;
	s5 =	sld [smem:$0x3F96]  }
0x2b: {  	s6 =	sld [smem:$0x3F97]  }
0x2c: {  	s7 =	sld [smem:$0x3F98]  }
0x2d: {  	s3 =	simm.s32 $0x108;
	s8 =	sld [smem:$0x3F99]  }
0x2e: {  	s3 =	simm.s32 @!p0 $0x1082;
	s9 =	sld [smem:$0x3F9A]  }
0x2f: {  	lr =	sadd.s32 s0, s3;
	s0 =	sld [smem:$0x3F91]  }
0x30: {  	s3 =	sld [smem:$0x3F94]  }
0x31: {  	[smem:$0x3F9D] =	sst s10  }
0x32: {  	s10 =	sld [smem:$0x3F9B];
	_ =	sdelay $0x3  }
0x33: {  	p0 =	seq.s32 s10, $0x1;
	s10 =	sld [smem:$0x3F9D];
	_ =	sdelay $0x3  }
0x34: {  	[smem:$0x3F9D] =	sst s10  }
0x35: {  	s10 =	sld [smem:$0x3F9C];
	_ =	sdelay $0x3  }
0x36: {  	p1 =	seq.s32 s10, $0x1;
	s10 =	sld [smem:$0x3F9D];
	_ =	sdelay $0x3  }
0x37: {  	[smem:$0x3F9D] =	sst s10  }
0x38: {  	s10 =	sld [smem:$0x3F9E]  }
0x39: {  	_ = 	snop;
	(pc) =	sbr.ind lr, $3  }
0x3a: {  	_ = 	snop  }
0x3b: {  	_ = 	snop  }
0x3c: {  	p2 =	seq.s32 s10, $0x1;
	s10 =	sld [smem:$0x3F9D]  }
0x3d: {  	_ =	shalt  }
0x3e: {  	_ =	shalt  }
0x3f: {  	_ =	shalt  }
0x40: {  	_ =	shalt  }
0x41: {  	_ =	shalt  }
0x42: {  	_ =	shalt  }
0x43: {  	_ =	shalt  }
0x44: {  	_ =	shalt  }
0x45: {  	_ =	shalt  }
0x46: {  	_ =	shalt  }
0x47: {  	_ =	shalt  }
0x48: {  	_ =	shalt  }
0x49: {  	_ =	shalt  }
0x4a: {  	_ =	shalt  }
0x4b: {  	_ =	shalt  }
0x4c: {  	_ =	shalt  }
0x4d: {  	_ =	shalt  }
0x4e: {  	_ =	shalt  }
0x4f: {  	_ =	shalt  }
0x50: {  	_ =	shalt  }
0x51: {  	_ =	shalt  }
0x52: {  	_ =	shalt  }
0x53: {  	_ =	shalt  }
0x54: {  	_ =	shalt  }
0x55: {  	_ =	shalt  }
0x56: {  	_ =	shalt  }
0x57: {  	_ =	shalt  }
0x58: {  	_ =	shalt  }
0x59: {  	_ =	shalt  }
0x5a: {  	_ =	shalt  }
0x5b: {  	_ =	shalt  }
0x5c: {  	_ =	shalt  }
0x5d: {  	_ =	shalt  }
0x5e: {  	_ =	shalt  }
0x5f: {  	_ =	shalt  }
0x60: {  	_ =	shalt  }
0x61: {  	_ =	shalt  }
0x62: {  	_ =	shalt  }
0x63: {  	_ =	shalt  }
0x64: {  	_ =	shalt  }
0x65: {  	_ =	shalt  }
0x66: {  	_ =	shalt  }
0x67: {  	_ =	shalt  }
0x68: {  	_ =	shalt  }
0x69: {  	_ =	shalt  }
0x6a: {  	_ =	shalt  }
0x6b: {  	_ =	shalt  }
0x6c: {  	_ =	shalt  }
0x6d: {  	_ =	shalt  }
0x6e: {  	_ =	shalt  }
0x6f: {  	_ =	shalt  }
0x70: {  	_ =	shalt  }
0x71: {  	_ =	shalt  }
0x72: {  	_ =	shalt  }
0x73: {  	_ =	shalt  }
0x74: {  	_ =	shalt  }
0x75: {  	_ =	shalt  }
0x76: {  	_ =	shalt  }
0x77: {  	_ =	shalt  }
0x78: {  	_ =	shalt  }
0x79: {  	_ =	shalt  }
0x7a: {  	_ =	shalt  }
0x7b: {  	_ =	shalt  }
0x7c: {  	_ =	shalt  }
0x7d: {  	_ =	shalt  }
0x7e: {  	_ =	shalt  }
0x7f: {  	_ =	shalt  }
0x80: {  	_ =	shalt  }
0x81: {  	_ =	shalt  }
0x82: {  	_ =	shalt  }
0x83: {  	_ =	shalt  }
0x84: {  	_ =	shalt  }
0x85: {  	_ =	shalt  }
0x86: {  	_ =	shalt  }
0x87: {  	_ =	shalt  }
.Lfunc_end0:
.L_simem_size_0:
called_computation.2_lowered:
.L_overlay_start_0:
0x88: {  	s2 =	sld [smem:$0x3FD9]  }
0x89: {  	s3 =	sld [smem:$0x3FFE];
	_ =	sdelay $0x1  }
0x8a: {  	s1 =	srdreg.scid  }
0x8b: {  	s0 =	sand.u32 $0x1, s1  }
0x8c: {  	s16 =	sshll.u32 s0, $0xA;
	s2 =	sadd.s32 s3, s2  }
0x8d: {  	s2 =	sadd.s32 s2, s16  }
0x8e: {  	[smem:$0x3FA9] =	sst s2  }
0x8f: {  	_ = 	snop  }
0x90: {  	(tm) =	ssettm $0x1  }
0x91: {  	s17 =	sld [smem:$0x3FFB];
	_ =	sdelay $0x3  }
0x92: {  	_ =	strace s17  }
0x93: {  	s2 =	sld [smem:$0x3FFC];
	_ =	sdelay $0x3  }
0x94: {  	_ =	strace s2  }
0x95: {  	s2 =	sld [smem:$0x3FFD];
	_ =	sdelay $0x3  }
0x96: {  	_ =	strace s2  }
0x97: {  	_ =	strace $0x8FFFFFFF  }
0x98: {  	s18 =	sld [smem:$0x3FDB];
	_ =	sdelay $0x1  }
0x99: {  	s19 =	simm.s32 $_scs_section_size  }
0x9a: {  	s4 =	simm.s32 $_size__tile_overlayer_lowered;
	s5 =	simm.s32 $_tile_overlayer_lowered  }
0x9b: {  	s22 =	simm.s32 $0x1BFF;
	s21 =	sshll.u32 s5, $0x1;
	s2 =	sadd.s32 s19, s18  }
0x9c: {  	s6 =	simm.s32 $0x0;
	s20 =	sshll.u32 s4, $0x1;
	s4 =	sadd.s32 s21, s2  }
0x9d: {  	[timem:s6], [sflag:s22] =	dma.local [hbm:s4], s20  }
0x9e: {  	_ =	swait.ge [sflag:s22], s20  }
0x9f: {  	s3 =	ssub.s32 $0x0, s20;
	[sflag:s22] =	ssyncset.done $0x0  }
0xa0: {  	[sflag:s22] =	ssyncadd.s32 s3;
	_ =	sdelay $0x1  }
0xa1: {  	s23 =	simm.s32 $0x1B8B  }
0xa2: {  	_ =	swait.ge [sflag:s23], $0x1  }
0xa3: {  	[sflag:s23] =	ssyncset.done $0x0  }
0xa4: {  	s25 =	simm.s32 $0x1B8E;
	s24 =	sld [smem:$0x3FFE];
	[sflag:s23] =	ssyncadd.s32 $0xFFFFFFFF  }
0xa5: {  	s26 =	simm.s32 $execute0_lowered;
	[smem:$0x3FD2] =	sst s25  }
0xa6: {  	s4 =	sshll.u32 s26, $0x1;
	_ =	strace $0x8000004C;
	[dreg:$0x1] =	wrdreg $0xFFFFFFFF  }
0xa7: {  	s28 =	simm.s32 $_size_execute0_lowered;
	s2 =	sadd.s32 s2, s4;
	[dreg:$0x0] =	wrdreg $0x0  }
0xa8: {  	s4 =	sshll.u32 s28, $0x1;
	[dreg:$0x2] =	wrdreg s2  }
0xa9: {  	[dreg:$0x3] =	wrdreg s4  }
0xaa: {  	[dreg:$0x4] =	wrdreg $0xC0  }
0xab: {  	_ =	task [dreg:s6], $0x5FFFF  }
0xac: {  	[dreg:$0x1] =	wrdreg $0xFFFFFFFF  }
0xad: {  	[dreg:$0x0] =	wrdreg $0x60  }
0xae: {  	[dreg:$0x2] =	wrdreg s24  }
0xaf: {  	[dreg:$0x3] =	wrdreg $0x29000  }
0xb0: {  	[dreg:$0x4] =	wrdreg $0x9  }
0xb1: {  	_ =	task.clear_ibuf [dreg:s6], $0x5FFFF;
	_ =	strace $0x9000004C  }
0xb2: {  	s29 =	simm.s32 $0x9;
	_ =	strace $0x8000004E  }
0xb3: {  	_ =	swait.ge [sflag:s29], $0x1  }
0xb4: {  	[sflag:s29] =	ssyncadd.s32 $0xFFFFFFFF  }
0xb5: {  	_ =	strace $0x9000004E  }
0xb6: {  	_ =	sfence  }
0xb7: {  	s30 =	sld [smem:$0x0];
	_ =	sdelay $0x2  }
0xb8: {  	s31 =	sshll.u32 s1, $0xD;
	s1 =	sshrl.u32 s1, $0x2  }
0xb9: {  	s3 =	sand.u32 $0x4000, s31;
	s1 =	sadd.s32 s1, s30  }
0xba: {  	s0 =	sor.u32 s3, s0;
	s1 =	sshll.u32 s1, $0x11  }
0xbb: {  	s0 =	sor.u32 s1, s0  }
0xbc: {  	s0 =	sadd.s32 $0x8F2B, s0  }
0xbd: {  	[sflag:s0] =	ssyncadd.remote.s32 $0x1  }
0xbe: {  	_ =	sfence.sel $0xFFFF  }
0xbf: {  	[dreg:$0x0] =	wrdreg $0xFFFFFFFF;
	(pc) =	sbr.abs _section_cstart, $3  }
0xc0: {  	[dreg:$0x1] =	wrdreg $0xFFFFFFFF  }
0xc1: {  	_ =	task.clear_ibuf [dreg:s6], $0x2FFFF;
	_ =	strace $0x9FFFFFFF  }
0xc2: {  	(tm) =	ssettm $0x7FFFFFFF  }
0xc3: {  	_ =	shalt  }
tec
execute0_lowered:
.L_overlay_start_1:
0x0: {  	(tag) =	ssettag $0x1  }
0x1: {  	s1 =	srdreg.scid;
	s7 =	rddreg [dreg:$0x0]  }
0x2: {  	s0 =	stileid.u32;
	s2 =	rddreg [dreg:$0x1]  }
0x3: {  	s3 =	simm.s32 $0x0;
	s16 =	simm.s32 $0x80;
	s17 =	simm.s32 $0x50  }
0x4: {  	s18 =	simm.s32 $0x100;
	s19 =	simm.s32 $0x1;
	s4 =	smul.u32 $0x4E20, s0  }
0x5: {  	s5 =	sand.u32 $0x1, s1;
	s1 =	rddreg [dreg:$0x2];
	s8 =	smul.u32 $0x13800, s0  }
0x6: {  	s20 =	simm.s32 $0x0;
	[smem:$0x7FF] =	sst s3;
	s10 =	smul.u32 $0x4E000, s0  }
0x7: {  	s11 =	sadd.s32 $0x68000, s7;
	s30 =	sshll.u32 s0, $0x6;
	s15 =	sadd.s32 $0x138000, s2  }
0x8: {  	p0 =	sne.s32 s0, $0xF;
	s6 =	smul.u32 $0x2710, s5;
	_ =	strace $0x8000004D  }
0x9: {  	s9 =	ssub.s32 $0x2, s5;
	s29 =	smul.u32 $0x138800, s5;
	s15 =	sshrl.u32 @!p0 s15, $0x3  }
0xa: {  	s26 =	sshrl.u32 s8, $0x3;
	s13 =	sshrl.u32 s9, $0x1;
	s28 =	sshrl.u32 s10, $0x2  }
0xb: {  	s4 =	sadd.s32 s6, s4;
	s13 =	ssub.s32 s9, s13;
	s14 =	sadd.s32 s28, s2  }
0xc: {  	s8 =	sadd.s32 s8, s29;
	s31 =	sshrl.u32 s29, $0x3;
	s6 =	sshrl.u32 s4, $0x3  }
0xd: {  	s4 =	sadd.s32 $0x40E00, s7;
	s8 =	sshrl.u32 s8, $0x3;
	s9 =	sadd.s32 s11, s31  }
0xe: {  	s10 =	smax.u32 s13, $0x1;
	s13 =	sshrl.u32 s14, $0x3;
	s14 =	simm.s32 $0x2  }
0xf: {  	s12 =	sadd.s32 s6, s7;
	s6 =	sadd.s32 s26, s7;
	s7 =	sadd.s32 $0x40C00, s7  }
0x10: {  	s8 =	sadd.s32 s11, s8;
	s9 =	sadd.s32 $0x27000, s9;
	s5 =	sadd.s32 $0x19C00, s6  }
0x11: {  	s6 =	sor.u32 $0x1C02, s30;
	s11 =	sadd.s32 $0x6000, s12;
	s12 =	sadd.s32 $0xFE00, s12  }
.LBB2_1:
0x12: {  	[spmem:s13], [sflag:s6] =	dma.local [hbm:s5], $0x2700  }
0x13: {  	_ =	swait.ge [sflag:s14], $0x2700  }
0x14: {  	[sflag:s14] =	ssyncset.done $0x0  }
0x15: {  	s21 =	simm.s32 @!p0 $0x2;
	[sflag:s14] =	ssyncadd.s32 $0xFFFFD900  }
0x16: {  	[spmem:s15], [sflag:s6] =	dma.local @!p0 [hbm:s7], $0x100  }
0x17: {  	_ =	swait.ge @!p0 [sflag:s21], $0x100  }
0x18: {  	[sflag:s21] =	ssyncset.done @!p0 $0x0  }
0x19: {  	[sflag:s21] =	ssyncadd.s32 @!p0 $0xFFFFFF00  }
0x1a: {  	s30 =	sadd.s32 $0x0, s12;
	[bflag:$0x0] =	sbarrier.arrive $0xFFFF  }
0x1b: {  	[tilespmem:s3], [sflag:$0x2] =	stream.linear.gather [hbm4b:s30+s3], $0x50, $0x38;
	[tilespmem:$0x16180] =	vst v63  }
0x1c: {  	_ =	swait.ge [sflag:s14], $0x50  }
0x1d: {  	[sflag:s14] =	ssyncset.done $0x0  }
0x1e: {  	s31 =	sadd.s32 $0x0, s11;
	[sflag:s14] =	ssyncadd.s32 $0xFFFFFFB0  }
0x1f: {  	[tilespmem:s16], [sflag:$0x2] =	stream.linear.gather [hbm4b:s31+s3], $0x50, $0x38;
	[tilespmem:$0x16180] =	vst v63  }
0x20: {  	_ =	swait.ge [sflag:s14], $0x50  }
0x21: {  	[sflag:s14] =	ssyncset.done $0x0  }
0x22: {  	[sflag:s14] =	ssyncadd.s32 $0xFFFFFFB0  }
0x23: {  	[tilespmem:s18], [sflag:$0x1] =	stream.indirect.gather [hbm4b:s4+s17], $0x80, s3, s17, $0xb8;
	[tilespmem:$0x16180] =	vst v63  }
0x24: {  	_ =	swait.ge [sflag:s19], $0x2800  }
0x25: {  	[sflag:s19] =	ssyncset.done $0x0  }
0x26: {  	[sflag:s19] =	ssyncadd.s32 $0xFFFFD800  }
0x27: {  	[spmem:s2] =	stream.indirect.scatter.add.f32 [tilespmem:s18], [sflag:$0x2], $0x80, s16, s17, $0xb8;
	[tilespmem:$0x16180] =	vst v63  }
0x28: {  	_ =	swait.ge [sflag:s14], $0x2800  }
0x29: {  	s22 =	simm.s32 $0x14;
	s21 =	simm.s32 $0xA;
	[sflag:s14] =	ssyncset.done $0x0  }
.LBB2_2:
0x2a: {  	s23 =	sadd.s32 s21, s12  }
0x2b: {  	[sflag:s14] =	ssyncadd.s32 $0xFFFFD800;
	s24 =	smov.u32 s22;
	s25 =	sadd.s32 $0xA, s22  }
0x2c: {  	[tilespmem:s3], [sflag:$0x2] =	stream.linear.gather [hbm4b:s23+s3], $0x50, $0x38;
	[tilespmem:$0x16180] =	vst v63  }
0x2d: {  	p1 =	sne.s32 s22, $0x4D8;
	_ =	swait.ge [sflag:s14], $0x50  }
0x2e: {  	[sflag:s14] =	ssyncset.done $0x0  }
0x2f: {  	s22 =	sadd.s32 s21, s11;
	s21 =	smov.u32 s24;
	[sflag:s14] =	ssyncadd.s32 $0xFFFFFFB0  }
0x30: {  	[tilespmem:s16], [sflag:$0x2] =	stream.linear.gather [hbm4b:s22+s3], $0x50, $0x38;
	[tilespmem:$0x16180] =	vst v63  }
0x31: {  	_ =	swait.ge [sflag:s14], $0x50  }
0x32: {  	[sflag:s14] =	ssyncset.done $0x0  }
0x33: {  	[sflag:s14] =	ssyncadd.s32 $0xFFFFFFB0  }
0x34: {  	[tilespmem:s18], [sflag:$0x1] =	stream.indirect.gather [hbm4b:s4+s17], $0x80, s3, s17, $0xb8;
	[tilespmem:$0x16180] =	vst v63  }
0x35: {  	_ =	swait.ge [sflag:s19], $0x2800  }
.Ltmp0:
0x36: {  	[sflag:s19] =	ssyncset.done $0x0;
	(pc) =	sbr.rel @p1 .LBB2_2-.Ltmp0, $4  }
0x37: {  	[sflag:s19] =	ssyncadd.s32 $0xFFFFD800  }
0x38: {  	[spmem:s2] =	stream.indirect.scatter.add.f32 [tilespmem:s18], [sflag:$0x2], $0x80, s16, s17, $0xb8;
	[tilespmem:$0x16180] =	vst v63  }
0x39: {  	_ =	swait.ge [sflag:s14], $0x2800  }
0x3a: {  	s22 =	smov.u32 s25;
	[sflag:s14] =	ssyncset.done $0x0  }
0x3b: {  	s22 =	sadd.s32 s21, s12;
	[sflag:s14] =	ssyncadd.s32 $0xFFFFD800  }
0x3c: {  	[tilespmem:s3], [sflag:$0x2] =	stream.linear.gather [hbm4b:s22+s3], $0x50, $0x38;
	[tilespmem:$0x16180] =	vst v63  }
0x3d: {  	_ =	swait.ge [sflag:s14], $0x50  }
0x3e: {  	[sflag:s14] =	ssyncset.done $0x0  }
0x3f: {  	s31 =	sadd.s32 s21, s11;
	[sflag:s14] =	ssyncadd.s32 $0xFFFFFFB0  }
0x40: {  	[tilespmem:s16], [sflag:$0x2] =	stream.linear.gather [hbm4b:s31+s3], $0x50, $0x38;
	[tilespmem:$0x16180] =	vst v63  }
0x41: {  	_ =	swait.ge [sflag:s14], $0x50  }
0x42: {  	[sflag:s14] =	ssyncset.done $0x0  }
0x43: {  	[sflag:s14] =	ssyncadd.s32 $0xFFFFFFB0  }
0x44: {  	[tilespmem:s18], [sflag:$0x1] =	stream.indirect.gather [hbm4b:s4+s17], $0x80, s3, s17, $0xb8;
	[tilespmem:$0x16180] =	vst v63  }
0x45: {  	_ =	swait.ge [sflag:s19], $0x2800  }
0x46: {  	[sflag:s19] =	ssyncset.done $0x0  }
0x47: {  	[sflag:s19] =	ssyncadd.s32 $0xFFFFD800  }
0x48: {  	[spmem:s2] =	stream.indirect.scatter.add.f32 [tilespmem:s18], [sflag:$0x2], $0x80, s16, s17, $0xb8;
	[tilespmem:$0x16180] =	vst v63  }
0x49: {  	_ =	swait.ge [sflag:s14], $0x2800  }
0x4a: {  	[sflag:s14] =	ssyncset.done $0x0  }
0x4b: {  	[sflag:s14] =	ssyncadd.s32 $0xFFFFD800  }
0x4c: {  	[bflag:$0x0] =	sbarrier.arrive $0xFFFF  }
0x4d: {  	[hbm:s8], [sflag:s6] =	dma.local [spmem:s13], $0x2700  }
0x4e: {  	s20 =	sadd.s32 $0x1, s20;
	_ =	swait.ge [sflag:s14], $0x2700  }
0x4f: {  	p1 =	sne.s32 s20, s10;
	[sflag:s14] =	ssyncset.done $0x0  }
.Ltmp1:
0x50: {  	s21 =	simm.s32 @!p0 $0x2;
	[sflag:s14] =	ssyncadd.s32 $0xFFFFD900;
	(pc) =	sbr.rel @p1 .LBB2_1-.Ltmp1, $4  }
0x51: {  	[hbm:s9], [sflag:s6] =	dma.local @!p0 [spmem:s15], $0x100  }
0x52: {  	_ =	swait.ge @!p0 [sflag:s21], $0x100  }
0x53: {  	[sflag:s21] =	ssyncset.done @!p0 $0x0  }
0x54: {  	[sflag:s21] =	ssyncadd.s32 @!p0 $0xFFFFFF00  }
0x55: {  	_ =	sfence.sel $0x180000  }
0x56: {  	[bflag:$0x0] =	sbarrier.arrive $0xFFFF  }
0x57: {  	p0 =	sne.s32 s0, $0x0;
	_ =	strace $0x9000004D  }
0x58: {  	s0 =	sadd.s32 @!p0 $0x100000, s1;
	[bflag:$0x2] =	sbarrier.arrive $0xFFFF  }
0x59: {  	[sflag:s0] =	ssyncadd.tile.s32 @!p0 $0x1;
	_ =	shalt  }
.Lfunc_end2:
_tile_overlayer_lowered:
.L_overlay_start_2:
0x5a: {  	(tag) =	ssettag $0x2  }
0x5b: {  	s0 =	rddreg [dreg:$0x0];
	s2 =	stileid.u32  }
0x5c: {  	s1 =	rddreg [dreg:$0x1];
	p0 =	sne.s32 s2, $0x0  }
0x5d: {  	s3 =	rddreg [dreg:$0x2];
	[bflag:$0x3] =	sbarrier.arrive $0xFFFF;
	s2 =	simm.s32 @!p0 $0x1C02  }
0x5e: {  	[timem:s3], [sflag:s2] =	dma.local @!p0 [hbm:s0], s1  }
0x5f: {  	s0 =	simm.s32 @!p0 $0x2  }
0x60: {  	_ =	swait.ge @!p0 [sflag:s0], s1  }
0x61: {  	s1 =	ssub.s32 @!p0 $0x0, s1;
	[sflag:s0] =	ssyncset.done @!p0 $0x0  }
0x62: {  	[sflag:s0] =	ssyncadd.s32 @!p0 s1  }
0x63: {  	[bflag:$0x3] =	sbarrier.arrive $0xFFFF  }
0x64: {  	_ =	shalt  }

// kernel: kernel.9.cloned.1.call-start
scs
__scs_entry_jumppad:
0x0: {  	(pc) =	sbr.rel $0x88, $3  }
0x1: {  	(tag) =	ssettag $0x0;
	lr =	simm.s32 $0x1  }
0x2: {  	[smem:$0x3F82] =	sst lr;
	_ =	strace $0xD0000000  }
0x3: {  	_ = 	snop  }
0x4: {  	_ = 	snop  }
0x5: {  	_ = 	snop  }
0x6: {  	_ = 	snop  }
0x7: {  	_ = 	snop  }
__scs_overlays_trampoline_lowered:
0x8: {  	[smem:$0x3F91] =	sst s0  }
0x9: {  	[smem:$0x3F92] =	sst s1  }
0xa: {  	[smem:$0x3F93] =	sst s2  }
0xb: {  	[smem:$0x3F94] =	sst s3  }
0xc: {  	[smem:$0x3F95] =	sst s4  }
0xd: {  	[smem:$0x3F96] =	sst s5  }
0xe: {  	[smem:$0x3F97] =	sst s6  }
0xf: {  	[smem:$0x3F98] =	sst s7  }
0x10: {  	[smem:$0x3F99] =	sst s8  }
0x11: {  	[smem:$0x3F9A] =	sst s9;
	s0 =	simm.s32 @!p0 $0x0  }
0x12: {  	s1 =	sld [smem:$0x3F80];
	s0 =	simm.s32 @p0 $0x1  }
0x13: {  	[smem:$0x3F9B] =	sst s0;
	s0 =	simm.s32 @!p1 $0x0  }
0x14: {  	s2 =	sld [smem:$0x3F7F];
	s0 =	simm.s32 @p1 $0x1  }
0x15: {  	[smem:$0x3F9C] =	sst s0;
	s0 =	simm.s32 @!p2 $0x0  }
0x16: {  	s3 =	sld [smem:$0x3FDB];
	s0 =	simm.s32 @p2 $0x1  }
0x17: {  	s4 =	simm.s32 $0x1BF5;
	[smem:$0x3F9E] =	sst s0  }
0x18: {  	s0 =	sld [smem:$0x3F81];
	_ =	swait.ge [sflag:s4], $0x0  }
0x19: {  	s7 =	sld [smem:$0x3F82]  }
0x1a: {  	s8 =	sadd.s32 $0xFFFFE003, lr  }
0x1b: {  	s9 =	sadd.s32 $0xFFFFFEF7, lr;
	s5 =	simm.s32 $0xFFFFFFFF;
	p2 =	slt.u32 s8, $0xFFFFF086  }
0x1c: {  	p1 =	slt.u32 s9, $0xF7A;
	s5 =	simm.s32 @!p2 $0x0  }
0x1d: {  	s5 =	simm.s32 @p1 $0x1;
	p0 =	seq.s32 s7, s2  }
0x1e: {  	s7 =	smul.u32 @!p0 $0xF7A, s2;
	p2 =	seq.s32 @!p0 s5, $0x0  }
0x1f: {  	s9 =	smul.u32 $0xF7A, s1;
	s8 =	simm.s32 @!p0 $0x1BF5;
	p2 =	por !p2, p0  }
0x20: {  	[sflag:s8] =	ssyncset.s32 @!p0 $0xFFFFF086;
	s6 =	sadd.s32 @!p0 s3, s7;
	s7 =	simm.s32 @!p0 $0x108  }
0x21: {  	s3 =	sadd.s32 s3, s9;
	s6 =	sadd.s32 @!p0 $0x88, s6;
	s7 =	simm.s32 @p2 $0x1082  }
0x22: {  	[simem:s7], [sflag:s8] =	dma.local @!p0 [hbm:s6], $0xF7A  }
0x23: {  	s9 =	sor.u32 $0xD0000000, s2;
	s6 =	simm.s32 $0x108;
	_ =	swait.ge @!p0 [sflag:s8], $0x0  }
0x24: {  	s3 =	sadd.s32 $0x88, s3;
	s6 =	simm.s32 @!p1 $0x1082;
	[sflag:s4] =	ssyncset.s32 $0xFFFFF086  }
0x25: {  	[simem:s6], [sflag:s4] =	dma.local [hbm:s3], $0xF7A  }
0x26: {  	[smem:$0x3F82] =	sst s1;
	(tag) =	ssettag s2;
	_ =	strace s9  }
0x27: {  	s1 =	sld [smem:$0x3F92]  }
0x28: {  	s2 =	sld [smem:$0x3F93]  }
0x29: {  	s4 =	sld [smem:$0x3F95]  }
0x2a: {  	p0 =	seq.s32 s5, $0x0;
	s5 =	sld [smem:$0x3F96]  }
0x2b: {  	s6 =	sld [smem:$0x3F97]  }
0x2c: {  	s7 =	sld [smem:$0x3F98]  }
0x2d: {  	s3 =	simm.s32 $0x108;
	s8 =	sld [smem:$0x3F99]  }
0x2e: {  	s3 =	simm.s32 @!p0 $0x1082;
	s9 =	sld [smem:$0x3F9A]  }
0x2f: {  	lr =	sadd.s32 s0, s3;
	s0 =	sld [smem:$0x3F91]  }
0x30: {  	s3 =	sld [smem:$0x3F94]  }
0x31: {  	[smem:$0x3F9D] =	sst s10  }
0x32: {  	s10 =	sld [smem:$0x3F9B];
	_ =	sdelay $0x3  }
0x33: {  	p0 =	seq.s32 s10, $0x1;
	s10 =	sld [smem:$0x3F9D];
	_ =	sdelay $0x3  }
0x34: {  	[smem:$0x3F9D] =	sst s10  }
0x35: {  	s10 =	sld [smem:$0x3F9C];
	_ =	sdelay $0x3  }
0x36: {  	p1 =	seq.s32 s10, $0x1;
	s10 =	sld [smem:$0x3F9D];
	_ =	sdelay $0x3  }
0x37: {  	[smem:$0x3F9D] =	sst s10  }
0x38: {  	s10 =	sld [smem:$0x3F9E]  }
0x39: {  	_ = 	snop;
	(pc) =	sbr.ind lr, $3  }
0x3a: {  	_ = 	snop  }
0x3b: {  	_ = 	snop  }
0x3c: {  	p2 =	seq.s32 s10, $0x1;
	s10 =	sld [smem:$0x3F9D]  }
0x3d: {  	_ =	shalt  }
0x3e: {  	_ =	shalt  }
0x3f: {  	_ =	shalt  }
0x40: {  	_ =	shalt  }
0x41: {  	_ =	shalt  }
0x42: {  	_ =	shalt  }
0x43: {  	_ =	shalt  }
0x44: {  	_ =	shalt  }
0x45: {  	_ =	shalt  }
0x46: {  	_ =	shalt  }
0x47: {  	_ =	shalt  }
0x48: {  	_ =	shalt  }
0x49: {  	_ =	shalt  }
0x4a: {  	_ =	shalt  }
0x4b: {  	_ =	shalt  }
0x4c: {  	_ =	shalt  }
0x4d: {  	_ =	shalt  }
0x4e: {  	_ =	shalt  }
0x4f: {  	_ =	shalt  }
0x50: {  	_ =	shalt  }
0x51: {  	_ =	shalt  }
0x52: {  	_ =	shalt  }
0x53: {  	_ =	shalt  }
0x54: {  	_ =	shalt  }
0x55: {  	_ =	shalt  }
0x56: {  	_ =	shalt  }
0x57: {  	_ =	shalt  }
0x58: {  	_ =	shalt  }
0x59: {  	_ =	shalt  }
0x5a: {  	_ =	shalt  }
0x5b: {  	_ =	shalt  }
0x5c: {  	_ =	shalt  }
0x5d: {  	_ =	shalt  }
0x5e: {  	_ =	shalt  }
0x5f: {  	_ =	shalt  }
0x60: {  	_ =	shalt  }
0x61: {  	_ =	shalt  }
0x62: {  	_ =	shalt  }
0x63: {  	_ =	shalt  }
0x64: {  	_ =	shalt  }
0x65: {  	_ =	shalt  }
0x66: {  	_ =	shalt  }
0x67: {  	_ =	shalt  }
0x68: {  	_ =	shalt  }
0x69: {  	_ =	shalt  }
0x6a: {  	_ =	shalt  }
0x6b: {  	_ =	shalt  }
0x6c: {  	_ =	shalt  }
0x6d: {  	_ =	shalt  }
0x6e: {  	_ =	shalt  }
0x6f: {  	_ =	shalt  }
0x70: {  	_ =	shalt  }
0x71: {  	_ =	shalt  }
0x72: {  	_ =	shalt  }
0x73: {  	_ =	shalt  }
0x74: {  	_ =	shalt  }
0x75: {  	_ =	shalt  }
0x76: {  	_ =	shalt  }
0x77: {  	_ =	shalt  }
0x78: {  	_ =	shalt  }
0x79: {  	_ =	shalt  }
0x7a: {  	_ =	shalt  }
0x7b: {  	_ =	shalt  }
0x7c: {  	_ =	shalt  }
0x7d: {  	_ =	shalt  }
0x7e: {  	_ =	shalt  }
0x7f: {  	_ =	shalt  }
0x80: {  	_ =	shalt  }
0x81: {  	_ =	shalt  }
0x82: {  	_ =	shalt  }
0x83: {  	_ =	shalt  }
0x84: {  	_ =	shalt  }
0x85: {  	_ =	shalt  }
0x86: {  	_ =	shalt  }
0x87: {  	_ =	shalt  }
.Lfunc_end0:
.L_simem_size_0:
called_computation_lowered:
.L_overlay_start_0:
0x88: {  	s2 =	sld [smem:$0x3FD9]  }
0x89: {  	s3 =	sld [smem:$0x3FFE];
	_ =	sdelay $0x1  }
0x8a: {  	s1 =	srdreg.scid  }
0x8b: {  	s0 =	sand.u32 $0x1, s1  }
0x8c: {  	s17 =	sshll.u32 s0, $0xA;
	s2 =	sadd.s32 s3, s2  }
0x8d: {  	s2 =	sadd.s32 s2, s17  }
0x8e: {  	[smem:$0x3FA9] =	sst s2  }
0x8f: {  	_ = 	snop  }
0x90: {  	s2 =	sld [smem:$0x3FC9];
	(tm) =	ssettm $0x1  }
0x91: {  	s18 =	sld [smem:$0x3FFB];
	_ =	sdelay $0x3  }
0x92: {  	_ =	strace s18  }
0x93: {  	s3 =	sld [smem:$0x3FFC];
	_ =	sdelay $0x3  }
0x94: {  	_ =	strace s3  }
0x95: {  	s3 =	sld [smem:$0x3FFD];
	_ =	sdelay $0x3  }
0x96: {  	_ =	strace s3  }
0x97: {  	_ =	strace $0x8FFFFFFF  }
0x98: {  	s19 =	sld [smem:$0x3FDB];
	_ =	sdelay $0x1  }
0x99: {  	s4 =	simm.s32 $_scs_section_size  }
0x9a: {  	s5 =	simm.s32 $_size__tile_overlayer_lowered;
	s6 =	simm.s32 $_tile_overlayer_lowered  }
0x9b: {  	s22 =	simm.s32 $0x1BFF;
	s21 =	sshll.u32 s6, $0x1;
	s3 =	sadd.s32 s4, s19  }
0x9c: {  	s7 =	simm.s32 $0x0;
	s20 =	sshll.u32 s5, $0x1;
	s5 =	sadd.s32 s21, s3  }
0x9d: {  	[timem:s7], [sflag:s22] =	dma.local [hbm:s5], s20  }
0x9e: {  	_ =	swait.ge [sflag:s22], s20  }
0x9f: {  	s4 =	ssub.s32 $0x0, s20;
	[sflag:s22] =	ssyncset.done $0x0  }
0xa0: {  	[sflag:s22] =	ssyncadd.s32 s4;
	_ =	sdelay $0x1  }
0xa1: {  	s23 =	simm.s32 $0x1B8B  }
0xa2: {  	_ =	swait.ge [sflag:s23], $0x1  }
0xa3: {  	[sflag:s23] =	ssyncset.done $0x0  }
0xa4: {  	s25 =	simm.s32 $0x1B8E;
	s24 =	sld [smem:$0x3FFE];
	[sflag:s23] =	ssyncadd.s32 $0xFFFFFFFF  }
0xa5: {  	s26 =	simm.s32 $execute0_lowered;
	[smem:$0x3FD2] =	sst s25  }
0xa6: {  	s5 =	sshll.u32 s26, $0x1;
	_ =	strace $0x80000046;
	[dreg:$0x1] =	wrdreg $0xFFFFFFFF  }
0xa7: {  	s28 =	simm.s32 $_size_execute0_lowered;
	s3 =	sadd.s32 s3, s5;
	[dreg:$0x0] =	wrdreg $0x0  }
0xa8: {  	s5 =	sshll.u32 s28, $0x1;
	[dreg:$0x2] =	wrdreg s3  }
0xa9: {  	[dreg:$0x3] =	wrdreg s5  }
0xaa: {  	[dreg:$0x4] =	wrdreg $0xC0  }
0xab: {  	_ =	task [dreg:s7], $0x5FFFF  }
0xac: {  	[dreg:$0x1] =	wrdreg $0xFFFFFFFF  }
0xad: {  	[dreg:$0x0] =	wrdreg $0x60  }
0xae: {  	[dreg:$0x2] =	wrdreg s2  }
0xaf: {  	[dreg:$0x3] =	wrdreg s24  }
0xb0: {  	[dreg:$0x4] =	wrdreg $0x29000  }
0xb1: {  	[dreg:$0x5] =	wrdreg $0x9  }
0xb2: {  	_ =	task.clear_ibuf [dreg:s7], $0x6FFFF;
	_ =	strace $0x90000046  }
0xb3: {  	s29 =	simm.s32 $0x9;
	_ =	strace $0x80000048  }
0xb4: {  	_ =	swait.ge [sflag:s29], $0x1  }
0xb5: {  	[sflag:s29] =	ssyncadd.s32 $0xFFFFFFFF  }
0xb6: {  	_ =	strace $0x90000048  }
0xb7: {  	_ =	sfence  }
0xb8: {  	s30 =	sld [smem:$0x0];
	_ =	sdelay $0x2  }
0xb9: {  	s31 =	sshll.u32 s1, $0xD;
	s1 =	sshrl.u32 s1, $0x2  }
0xba: {  	s3 =	sand.u32 $0x4000, s31;
	s1 =	sadd.s32 s1, s30  }
0xbb: {  	s0 =	sor.u32 s3, s0;
	s1 =	sshll.u32 s1, $0x11  }
0xbc: {  	s0 =	sor.u32 s1, s0  }
0xbd: {  	s0 =	sadd.s32 $0x8F2B, s0  }
0xbe: {  	[sflag:s0] =	ssyncadd.remote.s32 $0x1  }
0xbf: {  	_ =	sfence.sel $0xFFFF  }
0xc0: {  	[dreg:$0x0] =	wrdreg $0xFFFFFFFF;
	(pc) =	sbr.abs _section_cstart, $3  }
0xc1: {  	[dreg:$0x1] =	wrdreg $0xFFFFFFFF  }
0xc2: {  	_ =	task.clear_ibuf [dreg:s7], $0x2FFFF;
	_ =	strace $0x9FFFFFFF  }
0xc3: {  	(tm) =	ssettm $0x7FFFFFFF  }
tec
execute0_lowered:
.L_overlay_start_1:
0x0: {  	(tag) =	ssettag $0x1  }
0x1: {  	s1 =	srdreg.scid;
	s2 =	rddreg [dreg:$0x0]  }
0x2: {  	s0 =	stileid.u32;
	s7 =	rddreg [dreg:$0x1]  }
0x3: {  	s3 =	rddreg [dreg:$0x2];
	s4 =	simm.s32 $0x0;
	s16 =	simm.s32 $0x80  }
0x4: {  	s17 =	simm.s32 $0x50;
	s18 =	simm.s32 $0x100;
	s19 =	simm.s32 $0x1  }
0x5: {  	s5 =	sand.u32 $0x1, s1;
	s6 =	smul.u32 $0x4E20, s0;
	s1 =	rddreg [dreg:$0x3]  }
0x6: {  	s20 =	simm.s32 $0x0;
	[smem:$0x7FF] =	sst s4;
	s25 =	smul.u32 $0x13800, s0  }
0x7: {  	s10 =	smul.u32 $0x4E000, s0;
	s11 =	sadd.s32 $0x40E00, s7;
	s30 =	sshll.u32 s0, $0x6  }
0x8: {  	s15 =	sadd.s32 $0x138000, s3;
	p0 =	sne.s32 s0, $0xF;
	s8 =	smul.u32 $0x2710, s5  }
0x9: {  	_ =	strace $0x80000047;
	s9 =	ssub.s32 $0x2, s5;
	s29 =	smul.u32 $0x138800, s5  }
0xa: {  	s15 =	sshrl.u32 @!p0 s15, $0x3;
	s26 =	sshrl.u32 s25, $0x3;
	s13 =	sshrl.u32 s9, $0x1  }
0xb: {  	s28 =	sshrl.u32 s10, $0x2;
	s6 =	sadd.s32 s8, s6;
	s13 =	ssub.s32 s9, s13  }
0xc: {  	s14 =	sadd.s32 s28, s3;
	s8 =	sadd.s32 s25, s29;
	s31 =	sshrl.u32 s29, $0x3  }
0xd: {  	s6 =	sshrl.u32 s6, $0x3;
	s8 =	sshrl.u32 s8, $0x3;
	s9 =	sadd.s32 s11, s31  }
0xe: {  	s10 =	smax.u32 s13, $0x1;
	s13 =	sshrl.u32 s14, $0x3;
	s14 =	simm.s32 $0x2  }
0xf: {  	s12 =	sadd.s32 s6, s7;
	s6 =	sadd.s32 s26, s7;
	s7 =	sadd.s32 $0x40C00, s7  }
0x10: {  	s8 =	sadd.s32 s11, s8;
	s9 =	sadd.s32 $0x27000, s9;
	s5 =	sadd.s32 $0x19C00, s6  }
0x11: {  	s6 =	sor.u32 $0x1C02, s30;
	s11 =	sadd.s32 $0x6000, s12;
	s12 =	sadd.s32 $0xFE00, s12  }
.LBB2_1:
0x12: {  	[spmem:s13], [sflag:s6] =	dma.local [hbm:s5], $0x2700  }
0x13: {  	_ =	swait.ge [sflag:s14], $0x2700  }
0x14: {  	[sflag:s14] =	ssyncset.done $0x0  }
0x15: {  	s21 =	simm.s32 @!p0 $0x2;
	[sflag:s14] =	ssyncadd.s32 $0xFFFFD900  }
0x16: {  	[spmem:s15], [sflag:s6] =	dma.local @!p0 [hbm:s7], $0x100  }
0x17: {  	_ =	swait.ge @!p0 [sflag:s21], $0x100  }
0x18: {  	[sflag:s21] =	ssyncset.done @!p0 $0x0  }
0x19: {  	[sflag:s21] =	ssyncadd.s32 @!p0 $0xFFFFFF00  }
0x1a: {  	s30 =	sadd.s32 $0x0, s12;
	[bflag:$0x0] =	sbarrier.arrive $0xFFFF  }
0x1b: {  	[tilespmem:s4], [sflag:$0x2] =	stream.linear.gather [hbm4b:s30+s4], $0x50, $0x38;
	[tilespmem:$0x16180] =	vst v63  }
0x1c: {  	_ =	swait.ge [sflag:s14], $0x50  }
0x1d: {  	[sflag:s14] =	ssyncset.done $0x0  }
0x1e: {  	s31 =	sadd.s32 $0x0, s11;
	[sflag:s14] =	ssyncadd.s32 $0xFFFFFFB0  }
0x1f: {  	[tilespmem:s16], [sflag:$0x2] =	stream.linear.gather [hbm4b:s31+s4], $0x50, $0x38;
	[tilespmem:$0x16180] =	vst v63  }
0x20: {  	_ =	swait.ge [sflag:s14], $0x50  }
0x21: {  	[sflag:s14] =	ssyncset.done $0x0  }
0x22: {  	[sflag:s14] =	ssyncadd.s32 $0xFFFFFFB0  }
0x23: {  	[tilespmem:s18], [sflag:$0x1] =	stream.indirect.gather [hbm4b:s2+s17], $0x80, s4, s17, $0xb8;
	[tilespmem:$0x16180] =	vst v63  }
0x24: {  	_ =	swait.ge [sflag:s19], $0x2800  }
0x25: {  	[sflag:s19] =	ssyncset.done $0x0  }
0x26: {  	[sflag:s19] =	ssyncadd.s32 $0xFFFFD800  }
0x27: {  	[spmem:s3] =	stream.indirect.scatter.add.f32 [tilespmem:s18], [sflag:$0x2], $0x80, s16, s17, $0xb8;
	[tilespmem:$0x16180] =	vst v63  }
0x28: {  	_ =	swait.ge [sflag:s14], $0x2800  }
0x29: {  	s22 =	simm.s32 $0x14;
	s21 =	simm.s32 $0xA;
	[sflag:s14] =	ssyncset.done $0x0  }
.LBB2_2:
0x2a: {  	s23 =	sadd.s32 s21, s12  }
0x2b: {  	[sflag:s14] =	ssyncadd.s32 $0xFFFFD800;
	s24 =	smov.u32 s22;
	s25 =	sadd.s32 $0xA, s22  }
0x2c: {  	[tilespmem:s4], [sflag:$0x2] =	stream.linear.gather [hbm4b:s23+s4], $0x50, $0x38;
	[tilespmem:$0x16180] =	vst v63  }
0x2d: {  	p1 =	sne.s32 s22, $0x4D8;
	_ =	swait.ge [sflag:s14], $0x50  }
0x2e: {  	[sflag:s14] =	ssyncset.done $0x0  }
0x2f: {  	s22 =	sadd.s32 s21, s11;
	s21 =	smov.u32 s24;
	[sflag:s14] =	ssyncadd.s32 $0xFFFFFFB0  }
0x30: {  	[tilespmem:s16], [sflag:$0x2] =	stream.linear.gather [hbm4b:s22+s4], $0x50, $0x38;
	[tilespmem:$0x16180] =	vst v63  }
0x31: {  	_ =	swait.ge [sflag:s14], $0x50  }
0x32: {  	[sflag:s14] =	ssyncset.done $0x0  }
0x33: {  	[sflag:s14] =	ssyncadd.s32 $0xFFFFFFB0  }
0x34: {  	[tilespmem:s18], [sflag:$0x1] =	stream.indirect.gather [hbm4b:s2+s17], $0x80, s4, s17, $0xb8;
	[tilespmem:$0x16180] =	vst v63  }
0x35: {  	_ =	swait.ge [sflag:s19], $0x2800  }
.Ltmp0:
0x36: {  	[sflag:s19] =	ssyncset.done $0x0;
	(pc) =	sbr.rel @p1 .LBB2_2-.Ltmp0, $4  }
0x37: {  	[sflag:s19] =	ssyncadd.s32 $0xFFFFD800  }
0x38: {  	[spmem:s3] =	stream.indirect.scatter.add.f32 [tilespmem:s18], [sflag:$0x2], $0x80, s16, s17, $0xb8;
	[tilespmem:$0x16180] =	vst v63  }
0x39: {  	_ =	swait.ge [sflag:s14], $0x2800  }
0x3a: {  	s22 =	smov.u32 s25;
	[sflag:s14] =	ssyncset.done $0x0  }
0x3b: {  	s22 =	sadd.s32 s21, s12;
	[sflag:s14] =	ssyncadd.s32 $0xFFFFD800  }
0x3c: {  	[tilespmem:s4], [sflag:$0x2] =	stream.linear.gather [hbm4b:s22+s4], $0x50, $0x38;
	[tilespmem:$0x16180] =	vst v63  }
0x3d: {  	_ =	swait.ge [sflag:s14], $0x50  }
0x3e: {  	[sflag:s14] =	ssyncset.done $0x0  }
0x3f: {  	s31 =	sadd.s32 s21, s11;
	[sflag:s14] =	ssyncadd.s32 $0xFFFFFFB0  }
0x40: {  	[tilespmem:s16], [sflag:$0x2] =	stream.linear.gather [hbm4b:s31+s4], $0x50, $0x38;
	[tilespmem:$0x16180] =	vst v63  }
0x41: {  	_ =	swait.ge [sflag:s14], $0x50  }
0x42: {  	[sflag:s14] =	ssyncset.done $0x0  }
0x43: {  	[sflag:s14] =	ssyncadd.s32 $0xFFFFFFB0  }
0x44: {  	[tilespmem:s18], [sflag:$0x1] =	stream.indirect.gather [hbm4b:s2+s17], $0x80, s4, s17, $0xb8;
	[tilespmem:$0x16180] =	vst v63  }
0x45: {  	_ =	swait.ge [sflag:s19], $0x2800  }
0x46: {  	[sflag:s19] =	ssyncset.done $0x0  }
0x47: {  	[sflag:s19] =	ssyncadd.s32 $0xFFFFD800  }
0x48: {  	[spmem:s3] =	stream.indirect.scatter.add.f32 [tilespmem:s18], [sflag:$0x2], $0x80, s16, s17, $0xb8;
	[tilespmem:$0x16180] =	vst v63  }
0x49: {  	_ =	swait.ge [sflag:s14], $0x2800  }
0x4a: {  	[sflag:s14] =	ssyncset.done $0x0  }
0x4b: {  	[sflag:s14] =	ssyncadd.s32 $0xFFFFD800  }
0x4c: {  	[bflag:$0x0] =	sbarrier.arrive $0xFFFF  }
0x4d: {  	[hbm:s8], [sflag:s6] =	dma.local [spmem:s13], $0x2700  }
0x4e: {  	s20 =	sadd.s32 $0x1, s20;
	_ =	swait.ge [sflag:s14], $0x2700  }
0x4f: {  	p1 =	sne.s32 s20, s10;
	[sflag:s14] =	ssyncset.done $0x0  }
.Ltmp1:
0x50: {  	s21 =	simm.s32 @!p0 $0x2;
	[sflag:s14] =	ssyncadd.s32 $0xFFFFD900;
	(pc) =	sbr.rel @p1 .LBB2_1-.Ltmp1, $4  }
0x51: {  	[hbm:s9], [sflag:s6] =	dma.local @!p0 [spmem:s15], $0x100  }
0x52: {  	_ =	swait.ge @!p0 [sflag:s21], $0x100  }
0x53: {  	[sflag:s21] =	ssyncset.done @!p0 $0x0  }
0x54: {  	[sflag:s21] =	ssyncadd.s32 @!p0 $0xFFFFFF00  }
0x55: {  	_ =	sfence.sel $0x180000  }
0x56: {  	[bflag:$0x0] =	sbarrier.arrive $0xFFFF  }
0x57: {  	p0 =	sne.s32 s0, $0x0;
	_ =	strace $0x90000047  }
0x58: {  	s0 =	sadd.s32 @!p0 $0x100000, s1;
	[bflag:$0x2] =	sbarrier.arrive $0xFFFF  }
0x59: {  	[sflag:s0] =	ssyncadd.tile.s32 @!p0 $0x1;
	_ =	shalt  }
.Lfunc_end2:
_tile_overlayer_lowered:
.L_overlay_start_2:
0x5a: {  	(tag) =	ssettag $0x2  }
0x5b: {  	s0 =	rddreg [dreg:$0x0];
	s2 =	stileid.u32  }
0x5c: {  	s1 =	rddreg [dreg:$0x1];
	p0 =	sne.s32 s2, $0x0  }
0x5d: {  	s3 =	rddreg [dreg:$0x2];
	[bflag:$0x3] =	sbarrier.arrive $0xFFFF;
	s2 =	simm.s32 @!p0 $0x1C02  }
0x5e: {  	[timem:s3], [sflag:s2] =	dma.local @!p0 [hbm:s0], s1  }
0x5f: {  	s0 =	simm.s32 @!p0 $0x2  }
0x60: {  	_ =	swait.ge @!p0 [sflag:s0], s1  }
0x61: {  	s1 =	ssub.s32 @!p0 $0x0, s1;
	[sflag:s0] =	ssyncset.done @!p0 $0x0  }
0x62: {  	[sflag:s0] =	ssyncadd.s32 @!p0 s1  }
0x63: {  	[bflag:$0x3] =	sbarrier.arrive $0xFFFF  }
0x64: {  	_ =	shalt  }

</sc_bundles>
